<compile_context>
chip_gen: v7x
topology: tpu7x:2x2x1
jax: 0.10.2.dev20260603
libtpu: 0.0.44.dev20260713+nightly
codegen_flags: <defaults>
</compile_context>

<pallas_src>
import functools

import jax
import jax.numpy as jnp
from jax import lax
from jax.experimental import pallas as pl
from jax.experimental.pallas import tpu as pltpu
from jax.experimental.pallas import tpu_sc as plsc

N = 10000
E = 320000
D = 128
H = 64
G = 64

NC = 2
NS = 16
NW = NC * NS
CH = 128
KCH = 80
EPAD = NW * KCH * CH
NPAD = 10240
RPT = NPAD // NS

BN = 1000
GRID = N // BN


def _mm_body(x_ref, w_ref, o_ref):
    o_ref[...] = jnp.dot(x_ref[...], w_ref[...],
                         preferred_element_type=jnp.float32)


def _matmul(x, w):
    n, d = x.shape
    h = w.shape[1]
    return pl.pallas_call(
        _mm_body,
        grid=(n // BN,),
        in_specs=[pl.BlockSpec((BN, d), lambda i: (i, 0)),
                  pl.BlockSpec((d, h), lambda i: (0, 0))],
        out_specs=pl.BlockSpec((BN, h), lambda i: (i, 0)),
        out_shape=jax.ShapeDtypeStruct((n, h), jnp.float32),
    )(x, w)


def _sc_agg_body(u_hbm, src_hbm, dst_hbm, zeros_hbm, out_hbm,
                 src_v, dst_v, msg_a, msg_b, msg_c, msg_d, acc,
                 gsem_a, gsem_b, gsem_c, gsem_d,
                 ssem_a, ssem_b, ssem_c, ssem_d):
    c = lax.axis_index("c")
    s = lax.axis_index("s")
    wid = s * NC + c

    pltpu.sync_copy(zeros_hbm, acc.at[pl.ds(s * RPT, RPT)])
    pltpu.sync_copy(src_hbm.at[wid], src_v)
    pltpu.sync_copy(dst_hbm.at[wid], dst_v)
    plsc.subcore_barrier()

    msg = (msg_a, msg_b, msg_c, msg_d)
    gsem = (gsem_a, gsem_b, gsem_c, gsem_d)
    ssem = (ssem_a, ssem_b, ssem_c, ssem_d)

    pltpu.async_copy(u_hbm.at[src_v.at[0]], msg[0], gsem[0])
    pltpu.async_copy(u_hbm.at[src_v.at[1]], msg[1], gsem[1])

    def body(jj, carry):
        for b in range(4):
            j = 4 * jj + b
            bg = (b + 2) % 4

            @pl.when(j >= 2)
            def _():
                pltpu.make_async_copy(msg[bg], acc.at[dst_v.at[j - 2]],
                                      ssem[bg]).wait()

            @pl.when(j + 2 < KCH)
            def _():
                pltpu.async_copy(u_hbm.at[src_v.at[j + 2]], msg[bg], gsem[bg])

            pltpu.make_async_copy(u_hbm.at[src_v.at[j]], msg[b], gsem[b]).wait()
            pltpu.async_copy(msg[b], acc.at[dst_v.at[j]], ssem[b], add=True)
        return carry

    lax.fori_loop(0, KCH // 4, body, 0)
    pltpu.make_async_copy(msg[2], acc.at[dst_v.at[KCH - 2]], ssem[2]).wait()
    pltpu.make_async_copy(msg[3], acc.at[dst_v.at[KCH - 1]], ssem[3]).wait()
    plsc.subcore_barrier()

    pltpu.sync_copy(acc.at[pl.ds(s * RPT, RPT)],
                    out_hbm.at[c, pl.ds(s * RPT, RPT)])


_sc_agg_cache = []


def _sc_agg(u, src_r, dst_r, zeros):
    if not _sc_agg_cache:
        _sc_agg_cache.append(pl.kernel(
            _sc_agg_body,
            out_type=jax.ShapeDtypeStruct((NC, NPAD, H), jnp.float32),
            mesh=plsc.VectorSubcoreMesh(core_axis_name="c",
                                        subcore_axis_name="s",
                                        num_cores=NC, num_subcores=NS),
            scratch_types=(
                [pltpu.VMEM((KCH, CH), jnp.int32),
                 pltpu.VMEM((KCH, CH), jnp.int32)]
                + [pltpu.VMEM((CH, H), jnp.float32) for _ in range(4)]
                + [pltpu.VMEM_SHARED((NPAD, H), jnp.float32)]
                + [pltpu.SemaphoreType.DMA for _ in range(8)]
            ),
            compiler_params=pltpu.CompilerParams(use_tc_tiling_on_sc=False),
        ))
    return _sc_agg_cache[0](u, src_r, dst_r, zeros)


def _mlp_body(u_ref, acc_ref, ba_ref, wb_ref, bb_ref, t_ref, s_ref):
    i = pl.program_id(0)
    z = u_ref[...] + acc_ref[0] + acc_ref[1] + ba_ref[...]
    z = jnp.maximum(z, 0.0)
    t = jnp.dot(z, wb_ref[...], preferred_element_type=jnp.float32) + bb_ref[...]
    t_ref[...] = t
    sq = jnp.concatenate([jnp.sum(t, 0, keepdims=True),
                          jnp.sum(t * t, 0, keepdims=True)], 0)

    @pl.when(i == 0)
    def _():
        s_ref[...] = sq

    @pl.when(i > 0)
    def _():
        s_ref[...] = s_ref[...] + sq


def _mlp_and_sums(u, accp, ba, wb, bb):
    return pl.pallas_call(
        _mlp_body,
        grid=(GRID,),
        in_specs=[pl.BlockSpec((BN, H), lambda i: (i, 0)),
                  pl.BlockSpec((NC, BN, H), lambda i: (0, i, 0)),
                  pl.BlockSpec((1, H), lambda i: (0, 0)),
                  pl.BlockSpec((H, H), lambda i: (0, 0)),
                  pl.BlockSpec((1, H), lambda i: (0, 0))],
        out_specs=[pl.BlockSpec((BN, H), lambda i: (i, 0)),
                   pl.BlockSpec((2, H), lambda i: (0, 0))],
        out_shape=[jax.ShapeDtypeStruct((N, H), jnp.float32),
                   jax.ShapeDtypeStruct((2, H), jnp.float32)],
    )(u, accp, ba, wb, bb)


def _bnmm_body(t_ref, s_ref, g_ref, be_ref, w_ref, o_ref):
    mu = s_ref[0:1] * (1.0 / N)
    var = s_ref[1:2] * (1.0 / N) - mu * mu
    a = g_ref[...] * lax.rsqrt(var + 1e-5)
    cc = be_ref[...] - mu * a
    h = jnp.maximum(t_ref[...] * a + cc, 0.0)
    o_ref[...] = jnp.dot(h, w_ref[...], preferred_element_type=jnp.float32)


def _bn_relu_matmul(t, sums, g, be, w):
    return pl.pallas_call(
        _bnmm_body,
        grid=(GRID,),
        in_specs=[pl.BlockSpec((BN, H), lambda i: (i, 0)),
                  pl.BlockSpec((2, H), lambda i: (0, 0)),
                  pl.BlockSpec((1, H), lambda i: (0, 0)),
                  pl.BlockSpec((1, H), lambda i: (0, 0)),
                  pl.BlockSpec((H, H), lambda i: (0, 0))],
        out_specs=pl.BlockSpec((BN, H), lambda i: (i, 0)),
        out_shape=jax.ShapeDtypeStruct((N, H), jnp.float32),
    )(t, sums, g, be, w)


def _pool_body(t_ref, s_ref, g_ref, be_ref, b_ref, o_ref, acc_scr, cnt_scr):
    i = pl.program_id(0)
    mu = s_ref[0:1] * (1.0 / N)
    var = s_ref[1:2] * (1.0 / N) - mu * mu
    a = g_ref[...] * lax.rsqrt(var + 1e-5)
    cc = be_ref[...] - mu * a
    h = jnp.maximum(t_ref[...] * a + cc, 0.0)

    lbl = b_ref[0]
    oh = (lbl == lax.broadcasted_iota(jnp.int32, (G, BN), 0))
    oh = oh.astype(jnp.float32)
    pooled = jnp.dot(oh, h, preferred_element_type=jnp.float32)
    cnt = jnp.sum(oh, 1, keepdims=True)

    @pl.when(i == 0)
    def _():
        acc_scr[...] = pooled
        cnt_scr[...] = cnt

    @pl.when(i > 0)
    def _():
        acc_scr[...] = acc_scr[...] + pooled
        cnt_scr[...] = cnt_scr[...] + cnt

    @pl.when(i == GRID - 1)
    def _():
        o_ref[...] = acc_scr[...] / jnp.maximum(cnt_scr[...], 1.0)


def _bn_relu_pool(t, sums, g, be, batch_r):
    return pl.pallas_call(
        _pool_body,
        grid=(GRID,),
        in_specs=[pl.BlockSpec((BN, H), lambda i: (i, 0)),
                  pl.BlockSpec((2, H), lambda i: (0, 0)),
                  pl.BlockSpec((1, H), lambda i: (0, 0)),
                  pl.BlockSpec((1, H), lambda i: (0, 0)),
                  pl.BlockSpec((1, 1, BN), lambda i: (i, 0, 0))],
        out_specs=pl.BlockSpec((G, H), lambda i: (0, 0)),
        out_shape=jax.ShapeDtypeStruct((G, H), jnp.float32),
        scratch_shapes=[pltpu.VMEM((G, H), jnp.float32),
                        pltpu.VMEM((G, 1), jnp.float32)],
    )(t, sums, g, be, batch_r)


def kernel(x, ei, batch, W1a, b1a, W1b, b1b, g1, be1,
           W2a, b2a, W2b, b2b, g2, be2):
    pad = EPAD - E
    src = jnp.concatenate([ei[0], jnp.zeros((pad,), jnp.int32)])
    dst_pad = N + (jnp.arange(pad, dtype=jnp.int32) % (NPAD - N))
    dst = jnp.concatenate([ei[1], dst_pad])
    src_r = src.reshape(NW, KCH, CH)
    dst_r = dst.reshape(NW, KCH, CH)
    zeros = jnp.zeros((RPT, H), jnp.float32)
    batch_r = batch.reshape(GRID, 1, BN)
    b1a_r, b1b_r = b1a.reshape(1, H), b1b.reshape(1, H)
    b2a_r, b2b_r = b2a.reshape(1, H), b2b.reshape(1, H)
    g1_r, be1_r = g1.reshape(1, H), be1.reshape(1, H)
    g2_r, be2_r = g2.reshape(1, H), be2.reshape(1, H)

    u1 = _matmul(x, W1a)
    accp1 = _sc_agg(u1, src_r, dst_r, zeros)
    t1, s1 = _mlp_and_sums(u1, accp1, b1a_r, W1b, b1b_r)

    u2 = _bn_relu_matmul(t1, s1, g1_r, be1_r, W2a)
    accp2 = _sc_agg(u2, src_r, dst_r, zeros)
    t2, s2 = _mlp_and_sums(u2, accp2, b2a_r, W2b, b2b_r)

    return _bn_relu_pool(t2, s2, g2_r, be2_r, batch_r)

# --- scband reference (transcript-rebuilt; emitter-appended) ---
"""Pipeline reference for scband-ginencoder-85521388798206 (READ-ONLY COPY).

The authoritative reference and input builder live on the scoring server;
editing this copy changes nothing except your own understanding.
"""

import jax, jax.numpy as jnp
import numpy as np

N = 10000
E = 320000
D = 128
H = 64
G = 64


def setup_inputs(seed: int = 0) -> dict:
    key = jax.random.key(seed)
    ks = jax.random.split(key, 16)
    x = jax.random.normal(ks[0], (N, D), dtype=jnp.float32)
    ei = jax.random.randint(ks[1], (2, E), 0, N, dtype=jnp.int32)
    batch = jnp.sort(jax.random.randint(ks[2], (N,), 0, G, dtype=jnp.int32))
    # GIN layer 1 MLP: Linear(D,H) -> ReLU -> Linear(H,H)
    W1a = jax.random.normal(ks[3], (D, H), dtype=jnp.float32) * (1.0 / np.sqrt(D))
    b1a = jnp.zeros((H,), dtype=jnp.float32)
    W1b = jax.random.normal(ks[4], (H, H), dtype=jnp.float32) * (1.0 / np.sqrt(H))
    b1b = jnp.zeros((H,), dtype=jnp.float32)
    g1 = jnp.ones((H,), dtype=jnp.float32)
    be1 = jnp.zeros((H,), dtype=jnp.float32)
    # GIN layer 2 MLP: Linear(H,H) -> ReLU -> Linear(H,H)
    W2a = jax.random.normal(ks[5], (H, H), dtype=jnp.float32) * (1.0 / np.sqrt(H))
    b2a = jnp.zeros((H,), dtype=jnp.float32)
    W2b = jax.random.normal(ks[6], (H, H), dtype=jnp.float32) * (1.0 / np.sqrt(H))
    b2b = jnp.zeros((H,), dtype=jnp.float32)
    g2 = jnp.ones((H,), dtype=jnp.float32)
    be2 = jnp.zeros((H,), dtype=jnp.float32)
    return {"x": x, "ei": ei, "batch": batch,
            "W1a": W1a, "b1a": b1a, "W1b": W1b, "b1b": b1b, "g1": g1, "be1": be1,
            "W2a": W2a, "b2a": b2a, "W2b": W2b, "b2b": b2b, "g2": g2, "be2": be2}


def _gin(h, ei, Wa, ba, Wb, bb):
    src = ei[0]
    dst = ei[1]
    msg = jnp.take(h, src, axis=0)
    agg = jax.ops.segment_sum(msg, dst, num_segments=N)
    z = h + agg  # eps = 0 (GINConv default)
    z = jnp.maximum(z @ Wa + ba, 0.0)
    z = z @ Wb + bb
    return z


def _bn(h, g, b):
    mu = jnp.mean(h, axis=0)
    var = jnp.var(h, axis=0)
    return g * (h - mu) / jnp.sqrt(var + 1e-5) + b


def reference(x, ei, batch, W1a, b1a, W1b, b1b, g1, be1, W2a, b2a, W2b, b2b, g2, be2):
    h = _gin(x, ei, W1a, b1a, W1b, b1b)
    h = jnp.maximum(_bn(h, g1, be1), 0.0)
    # dropout is identity in eval mode
    h = _gin(h, ei, W2a, b2a, W2b, b2b)
    h = jnp.maximum(_bn(h, g2, be2), 0.0)
    sums = jax.ops.segment_sum(h, batch, num_segments=G)
    cnt = jax.ops.segment_sum(jnp.ones((N,), dtype=jnp.float32), batch, num_segments=G)
    return sums / jnp.clip(cnt, 1.0)[:, None]

if __name__ == "__main__":
    import jax
    _d = setup_inputs()
    print(jax.jit(kernel)(*tuple(_d.values())))

</pallas_src>

<mosaic_0001>
#map = affine_map<(d0, d1) -> (0, 0)>
#map1 = affine_map<(d0, d1) -> (0, 0, 0)>
module attributes {stable_mosaic.version = 14 : i64} {
  func.func @_sc_agg_body(%arg0: i32, %arg1: i32, %arg2: memref<10000x64xf32, #tpu.memory_space<hbm>>, %arg3: memref<32x80x128xi32, #tpu.memory_space<hbm>>, %arg4: memref<32x80x128xi32, #tpu.memory_space<hbm>>, %arg5: memref<640x64xf32, #tpu.memory_space<hbm>>, %arg6: memref<2x10240x64xf32, #tpu.memory_space<hbm>>, %arg7: memref<80x128xi32, #tpu.memory_space<vmem>>, %arg8: memref<80x128xi32, #tpu.memory_space<vmem>>, %arg9: memref<128x64xf32, #tpu.memory_space<vmem>>, %arg10: memref<128x64xf32, #tpu.memory_space<vmem>>, %arg11: memref<128x64xf32, #tpu.memory_space<vmem>>, %arg12: memref<128x64xf32, #tpu.memory_space<vmem>>, %arg13: memref<10240x64xf32, #tpu.memory_space<vmem_shared>>, %arg14: memref<!tpu.dma_semaphore, #tpu.memory_space<semaphore_mem>>, %arg15: memref<!tpu.dma_semaphore, #tpu.memory_space<semaphore_mem>>, %arg16: memref<!tpu.dma_semaphore, #tpu.memory_space<semaphore_mem>>, %arg17: memref<!tpu.dma_semaphore, #tpu.memory_space<semaphore_mem>>, %arg18: memref<!tpu.dma_semaphore, #tpu.memory_space<semaphore_mem>>, %arg19: memref<!tpu.dma_semaphore, #tpu.memory_space<semaphore_mem>>, %arg20: memref<!tpu.dma_semaphore, #tpu.memory_space<semaphore_mem>>, %arg21: memref<!tpu.dma_semaphore, #tpu.memory_space<semaphore_mem>>) attributes {dimension_semantics = [#tpu.dimension_semantics<core_parallel>, #tpu.dimension_semantics<subcore_parallel>], iteration_bounds = array<i64: 2, 16>, scalar_prefetch = 0 : i64, scratch_operands = 15 : i64, tpu.core_type = #tpu.core_type<sc_vector_subcore>, window_params = [{transform_indices = #map}, {transform_indices = #map1}, {transform_indices = #map1}, {transform_indices = #map}, {transform_indices = #map1}]} {
    %mul3A = arith.constant 2 : i32
    %mul3A_0 = arith.muli %arg1, %mul3A : i32
    %add3A = arith.addi %mul3A_0, %arg0 : i32
    %mul3A_1 = arith.constant 640 : i32
    %mul3A_2 = arith.muli %arg1, %mul3A_1 : i32
    "tpu.region"() ({
      %run_scoped3A = tpu.sem_alloc : memref<!tpu.dma_semaphore, #tpu.memory_space<semaphore_mem>>
      %dma_start3A_39 = arith.constant 0 : i32
      %dma_start3A_40 = tpu.memref_slice %arg13[%mul3A_2, %dma_start3A_39] : memref<10240x64xf32, #tpu.memory_space<vmem_shared>> -> memref<640x64xf32, #tpu.memory_space<vmem_shared>>
      tpu.enqueue_dma source(%arg5 : memref<640x64xf32, #tpu.memory_space<hbm>>) target(%dma_start3A_40 : memref<640x64xf32, #tpu.memory_space<vmem_shared>>) target_semaphore(%run_scoped3A : memref<!tpu.dma_semaphore, #tpu.memory_space<semaphore_mem>>)
      %dma_wait3A_41 = arith.constant 0 : i32
      %dma_wait3A_42 = tpu.memref_slice %arg13[%mul3A_2, %dma_wait3A_41] : memref<10240x64xf32, #tpu.memory_space<vmem_shared>> -> memref<640x64xf32, #tpu.memory_space<vmem_shared>>
      tpu.wait_dma2 semaphore(%run_scoped3A : memref<!tpu.dma_semaphore, #tpu.memory_space<semaphore_mem>>) src(%arg5 : memref<640x64xf32, #tpu.memory_space<hbm>>) dst(%dma_wait3A_42 : memref<640x64xf32, #tpu.memory_space<vmem_shared>>)
      tpu.yield
    }) : () -> ()
    "tpu.region"() ({
      %run_scoped3A = tpu.sem_alloc : memref<!tpu.dma_semaphore, #tpu.memory_space<semaphore_mem>>
      %dma_start3A_39 = arith.constant 0 : i32
      %dma_start3A_40 = arith.constant 0 : i32
      %dma_start3A_41 = tpu.memref_slice %arg3[%add3A, %dma_start3A_39, %dma_start3A_40] : memref<32x80x128xi32, #tpu.memory_space<hbm>> -> memref<1x80x128xi32, #tpu.memory_space<hbm>>
      %dma_start3A_42 = tpu.memref_squeeze %dma_start3A_41 : memref<1x80x128xi32, #tpu.memory_space<hbm>> -> memref<80x128xi32, #tpu.memory_space<hbm>>
      %dma_start3A_43 = arith.constant 0 : i32
      %dma_start3A_44 = arith.constant 0 : i32
      %dma_start3A_45 = tpu.memref_slice %arg3[%add3A, %dma_start3A_43, %dma_start3A_44] : memref<32x80x128xi32, #tpu.memory_space<hbm>> -> memref<1x80x128xi32, #tpu.memory_space<hbm>>
      %dma_start3A_46 = tpu.memref_squeeze %dma_start3A_45 : memref<1x80x128xi32, #tpu.memory_space<hbm>> -> memref<80x128xi32, #tpu.memory_space<hbm>>
      tpu.enqueue_dma source(%dma_start3A_46 : memref<80x128xi32, #tpu.memory_space<hbm>>) target(%arg7 : memref<80x128xi32, #tpu.memory_space<vmem>>) target_semaphore(%run_scoped3A : memref<!tpu.dma_semaphore, #tpu.memory_space<semaphore_mem>>)
      %dma_wait3A_47 = arith.constant 0 : i32
      %dma_wait3A_48 = arith.constant 0 : i32
      %dma_wait3A_49 = tpu.memref_slice %arg3[%add3A, %dma_wait3A_47, %dma_wait3A_48] : memref<32x80x128xi32, #tpu.memory_space<hbm>> -> memref<1x80x128xi32, #tpu.memory_space<hbm>>
      %dma_wait3A_50 = tpu.memref_squeeze %dma_wait3A_49 : memref<1x80x128xi32, #tpu.memory_space<hbm>> -> memref<80x128xi32, #tpu.memory_space<hbm>>
      %dma_wait3A_51 = arith.constant 0 : i32
      %dma_wait3A_52 = arith.constant 0 : i32
      %dma_wait3A_53 = tpu.memref_slice %arg3[%add3A, %dma_wait3A_51, %dma_wait3A_52] : memref<32x80x128xi32, #tpu.memory_space<hbm>> -> memref<1x80x128xi32, #tpu.memory_space<hbm>>
      %dma_wait3A_54 = tpu.memref_squeeze %dma_wait3A_53 : memref<1x80x128xi32, #tpu.memory_space<hbm>> -> memref<80x128xi32, #tpu.memory_space<hbm>>
      tpu.wait_dma2 semaphore(%run_scoped3A : memref<!tpu.dma_semaphore, #tpu.memory_space<semaphore_mem>>) src(%dma_wait3A_54 : memref<80x128xi32, #tpu.memory_space<hbm>>) dst(%arg7 : memref<80x128xi32, #tpu.memory_space<vmem>>)
      tpu.yield
    }) : () -> ()
    "tpu.region"() ({
      %run_scoped3A = tpu.sem_alloc : memref<!tpu.dma_semaphore, #tpu.memory_space<semaphore_mem>>
      %dma_start3A_39 = arith.constant 0 : i32
      %dma_start3A_40 = arith.constant 0 : i32
      %dma_start3A_41 = tpu.memref_slice %arg4[%add3A, %dma_start3A_39, %dma_start3A_40] : memref<32x80x128xi32, #tpu.memory_space<hbm>> -> memref<1x80x128xi32, #tpu.memory_space<hbm>>
      %dma_start3A_42 = tpu.memref_squeeze %dma_start3A_41 : memref<1x80x128xi32, #tpu.memory_space<hbm>> -> memref<80x128xi32, #tpu.memory_space<hbm>>
      %dma_start3A_43 = arith.constant 0 : i32
      %dma_start3A_44 = arith.constant 0 : i32
      %dma_start3A_45 = tpu.memref_slice %arg4[%add3A, %dma_start3A_43, %dma_start3A_44] : memref<32x80x128xi32, #tpu.memory_space<hbm>> -> memref<1x80x128xi32, #tpu.memory_space<hbm>>
      %dma_start3A_46 = tpu.memref_squeeze %dma_start3A_45 : memref<1x80x128xi32, #tpu.memory_space<hbm>> -> memref<80x128xi32, #tpu.memory_space<hbm>>
      tpu.enqueue_dma source(%dma_start3A_46 : memref<80x128xi32, #tpu.memory_space<hbm>>) target(%arg8 : memref<80x128xi32, #tpu.memory_space<vmem>>) target_semaphore(%run_scoped3A : memref<!tpu.dma_semaphore, #tpu.memory_space<semaphore_mem>>)
      %dma_wait3A_47 = arith.constant 0 : i32
      %dma_wait3A_48 = arith.constant 0 : i32
      %dma_wait3A_49 = tpu.memref_slice %arg4[%add3A, %dma_wait3A_47, %dma_wait3A_48] : memref<32x80x128xi32, #tpu.memory_space<hbm>> -> memref<1x80x128xi32, #tpu.memory_space<hbm>>
      %dma_wait3A_50 = tpu.memref_squeeze %dma_wait3A_49 : memref<1x80x128xi32, #tpu.memory_space<hbm>> -> memref<80x128xi32, #tpu.memory_space<hbm>>
      %dma_wait3A_51 = arith.constant 0 : i32
      %dma_wait3A_52 = arith.constant 0 : i32
      %dma_wait3A_53 = tpu.memref_slice %arg4[%add3A, %dma_wait3A_51, %dma_wait3A_52] : memref<32x80x128xi32, #tpu.memory_space<hbm>> -> memref<1x80x128xi32, #tpu.memory_space<hbm>>
      %dma_wait3A_54 = tpu.memref_squeeze %dma_wait3A_53 : memref<1x80x128xi32, #tpu.memory_space<hbm>> -> memref<80x128xi32, #tpu.memory_space<hbm>>
      tpu.wait_dma2 semaphore(%run_scoped3A : memref<!tpu.dma_semaphore, #tpu.memory_space<semaphore_mem>>) src(%dma_wait3A_54 : memref<80x128xi32, #tpu.memory_space<hbm>>) dst(%arg8 : memref<80x128xi32, #tpu.memory_space<vmem>>)
      tpu.yield
    }) : () -> ()
    %barrier3A = arith.constant 0 : index
    tpu.barrier barrier_id(%barrier3A)
    %dma_start3A = arith.constant 0 : i32
    %dma_start3A_3 = arith.constant 0 : i32
    %dma_start3A_4 = tpu.memref_slice %arg7[%dma_start3A, %dma_start3A_3] : memref<80x128xi32, #tpu.memory_space<vmem>> -> memref<1x128xi32, #tpu.memory_space<vmem>>
    %dma_start3A_5 = tpu.memref_squeeze %dma_start3A_4 : memref<1x128xi32, #tpu.memory_space<vmem>> -> memref<128xi32, #tpu.memory_space<vmem>>
    %dma_start3A_6 = arith.constant 0 : i32
    %dma_start3A_7 = arith.constant 0 : i32
    %dma_start3A_8 = tpu.memref_slice %arg2[%dma_start3A_6, %dma_start3A_7] : memref<10000x64xf32, #tpu.memory_space<hbm>> -> memref<10000x64xf32, #tpu.memory_space<hbm>>
    tpu.enqueue_indirect_dma source(%dma_start3A_8 : memref<10000x64xf32, #tpu.memory_space<hbm>>) target(%arg9 : memref<128x64xf32, #tpu.memory_space<vmem>>) offsets(%dma_start3A_5 : memref<128xi32, #tpu.memory_space<vmem>>) semaphore(%arg14 : memref<!tpu.dma_semaphore, #tpu.memory_space<semaphore_mem>>)
    %dma_start3A_9 = arith.constant 1 : i32
    %dma_start3A_10 = arith.constant 0 : i32
    %dma_start3A_11 = tpu.memref_slice %arg7[%dma_start3A_9, %dma_start3A_10] : memref<80x128xi32, #tpu.memory_space<vmem>> -> memref<1x128xi32, #tpu.memory_space<vmem>>
    %dma_start3A_12 = tpu.memref_squeeze %dma_start3A_11 : memref<1x128xi32, #tpu.memory_space<vmem>> -> memref<128xi32, #tpu.memory_space<vmem>>
    %dma_start3A_13 = arith.constant 0 : i32
    %dma_start3A_14 = arith.constant 0 : i32
    %dma_start3A_15 = tpu.memref_slice %arg2[%dma_start3A_13, %dma_start3A_14] : memref<10000x64xf32, #tpu.memory_space<hbm>> -> memref<10000x64xf32, #tpu.memory_space<hbm>>
    tpu.enqueue_indirect_dma source(%dma_start3A_15 : memref<10000x64xf32, #tpu.memory_space<hbm>>) target(%arg10 : memref<128x64xf32, #tpu.memory_space<vmem>>) offsets(%dma_start3A_12 : memref<128xi32, #tpu.memory_space<vmem>>) semaphore(%arg15 : memref<!tpu.dma_semaphore, #tpu.memory_space<semaphore_mem>>)
    %scan3A = arith.constant 0 : i32
    %scan3A_16 = arith.constant 0 : i32
    %scan3A_17 = arith.constant 20 : i32
    %scan3A_18 = arith.addi %scan3A_16, %scan3A_17 : i32
    %scan3A_19 = arith.constant 1 : i32
    scf.for %scan3A_39 = %scan3A_16 to %scan3A_18 step %scan3A_19  : i32 {
      %mul3A_40 = arith.constant 4 : i32
      %mul3A_41 = arith.muli %mul3A_40, %scan3A_39 : i32
      %add3A_42 = arith.constant 0 : i32
      %add3A_43 = arith.addi %mul3A_41, %add3A_42 : i32
      %ge3A = arith.constant 2 : i32
      %ge3A_44 = arith.cmpi sge, %add3A_43, %ge3A : i32
      %convert_element_type3A = arith.extui %ge3A_44 : i1 to i32
      %cond3A = arith.constant 0 : i32
      %cond3A_45 = arith.cmpi ne, %convert_element_type3A, %cond3A : i32
      scf.if %cond3A_45 {
        %sub3A = arith.constant 2 : i32
        %sub3A_148 = arith.subi %add3A_43, %sub3A : i32
        %dma_wait3A_149 = arith.constant 0 : i32
        %dma_wait3A_150 = tpu.memref_slice %arg8[%sub3A_148, %dma_wait3A_149] : memref<80x128xi32, #tpu.memory_space<vmem>> -> memref<1x128xi32, #tpu.memory_space<vmem>>
        %dma_wait3A_151 = tpu.memref_squeeze %dma_wait3A_150 : memref<1x128xi32, #tpu.memory_space<vmem>> -> memref<128xi32, #tpu.memory_space<vmem>>
        %dma_wait3A_152 = arith.constant 0 : i32
        %dma_wait3A_153 = arith.constant 0 : i32
        %dma_wait3A_154 = tpu.memref_slice %arg13[%dma_wait3A_152, %dma_wait3A_153] : memref<10240x64xf32, #tpu.memory_space<vmem_shared>> -> memref<10240x64xf32, #tpu.memory_space<vmem_shared>>
        tpu.wait_indirect_dma semaphore(%arg20 : memref<!tpu.dma_semaphore, #tpu.memory_space<semaphore_mem>>) src(%arg11 : memref<128x64xf32, #tpu.memory_space<vmem>>) dst(%dma_wait3A_154 : memref<10240x64xf32, #tpu.memory_space<vmem_shared>>)
      } else {
      }
      %add3A_46 = arith.constant 2 : i32
      %add3A_47 = arith.addi %add3A_43, %add3A_46 : i32
      %lt3A = arith.constant 80 : i32
      %lt3A_48 = arith.cmpi slt, %add3A_47, %lt3A : i32
      %convert_element_type3A_49 = arith.extui %lt3A_48 : i1 to i32
      %cond3A_50 = arith.constant 0 : i32
      %cond3A_51 = arith.cmpi ne, %convert_element_type3A_49, %cond3A_50 : i32
      scf.if %cond3A_51 {
        %add3A_148 = arith.constant 2 : i32
        %add3A_149 = arith.addi %add3A_43, %add3A_148 : i32
        %dma_start3A_150 = arith.constant 0 : i32
        %dma_start3A_151 = tpu.memref_slice %arg7[%add3A_149, %dma_start3A_150] : memref<80x128xi32, #tpu.memory_space<vmem>> -> memref<1x128xi32, #tpu.memory_space<vmem>>
        %dma_start3A_152 = tpu.memref_squeeze %dma_start3A_151 : memref<1x128xi32, #tpu.memory_space<vmem>> -> memref<128xi32, #tpu.memory_space<vmem>>
        %dma_start3A_153 = arith.constant 0 : i32
        %dma_start3A_154 = arith.constant 0 : i32
        %dma_start3A_155 = tpu.memref_slice %arg2[%dma_start3A_153, %dma_start3A_154] : memref<10000x64xf32, #tpu.memory_space<hbm>> -> memref<10000x64xf32, #tpu.memory_space<hbm>>
        tpu.enqueue_indirect_dma source(%dma_start3A_155 : memref<10000x64xf32, #tpu.memory_space<hbm>>) target(%arg11 : memref<128x64xf32, #tpu.memory_space<vmem>>) offsets(%dma_start3A_152 : memref<128xi32, #tpu.memory_space<vmem>>) semaphore(%arg16 : memref<!tpu.dma_semaphore, #tpu.memory_space<semaphore_mem>>)
      } else {
      }
      %dma_wait3A_52 = arith.constant 0 : i32
      %dma_wait3A_53 = tpu.memref_slice %arg7[%add3A_43, %dma_wait3A_52] : memref<80x128xi32, #tpu.memory_space<vmem>> -> memref<1x128xi32, #tpu.memory_space<vmem>>
      %dma_wait3A_54 = tpu.memref_squeeze %dma_wait3A_53 : memref<1x128xi32, #tpu.memory_space<vmem>> -> memref<128xi32, #tpu.memory_space<vmem>>
      %dma_wait3A_55 = arith.constant 0 : i32
      %dma_wait3A_56 = arith.constant 0 : i32
      %dma_wait3A_57 = tpu.memref_slice %arg2[%dma_wait3A_55, %dma_wait3A_56] : memref<10000x64xf32, #tpu.memory_space<hbm>> -> memref<10000x64xf32, #tpu.memory_space<hbm>>
      tpu.wait_indirect_dma semaphore(%arg14 : memref<!tpu.dma_semaphore, #tpu.memory_space<semaphore_mem>>) src(%dma_wait3A_57 : memref<10000x64xf32, #tpu.memory_space<hbm>>) dst(%arg9 : memref<128x64xf32, #tpu.memory_space<vmem>>)
      %dma_start3A_58 = arith.constant 0 : i32
      %dma_start3A_59 = tpu.memref_slice %arg8[%add3A_43, %dma_start3A_58] : memref<80x128xi32, #tpu.memory_space<vmem>> -> memref<1x128xi32, #tpu.memory_space<vmem>>
      %dma_start3A_60 = tpu.memref_squeeze %dma_start3A_59 : memref<1x128xi32, #tpu.memory_space<vmem>> -> memref<128xi32, #tpu.memory_space<vmem>>
      %dma_start3A_61 = arith.constant 0 : i32
      %dma_start3A_62 = arith.constant 0 : i32
      %dma_start3A_63 = tpu.memref_slice %arg13[%dma_start3A_61, %dma_start3A_62] : memref<10240x64xf32, #tpu.memory_space<vmem_shared>> -> memref<10240x64xf32, #tpu.memory_space<vmem_shared>>
      tpu.enqueue_indirect_dma source(%arg9 : memref<128x64xf32, #tpu.memory_space<vmem>>) target(%dma_start3A_63 : memref<10240x64xf32, #tpu.memory_space<vmem_shared>>) offsets(%dma_start3A_60 : memref<128xi32, #tpu.memory_space<vmem>>) semaphore(%arg18 : memref<!tpu.dma_semaphore, #tpu.memory_space<semaphore_mem>>) {add = true}
      %mul3A_64 = arith.constant 4 : i32
      %mul3A_65 = arith.muli %mul3A_64, %scan3A_39 : i32
      %add3A_66 = arith.constant 1 : i32
      %add3A_67 = arith.addi %mul3A_65, %add3A_66 : i32
      %ge3A_68 = arith.constant 2 : i32
      %ge3A_69 = arith.cmpi sge, %add3A_67, %ge3A_68 : i32
      %convert_element_type3A_70 = arith.extui %ge3A_69 : i1 to i32
      %cond3A_71 = arith.constant 0 : i32
      %cond3A_72 = arith.cmpi ne, %convert_element_type3A_70, %cond3A_71 : i32
      scf.if %cond3A_72 {
        %sub3A = arith.constant 2 : i32
        %sub3A_148 = arith.subi %add3A_67, %sub3A : i32
        %dma_wait3A_149 = arith.constant 0 : i32
        %dma_wait3A_150 = tpu.memref_slice %arg8[%sub3A_148, %dma_wait3A_149] : memref<80x128xi32, #tpu.memory_space<vmem>> -> memref<1x128xi32, #tpu.memory_space<vmem>>
        %dma_wait3A_151 = tpu.memref_squeeze %dma_wait3A_150 : memref<1x128xi32, #tpu.memory_space<vmem>> -> memref<128xi32, #tpu.memory_space<vmem>>
        %dma_wait3A_152 = arith.constant 0 : i32
        %dma_wait3A_153 = arith.constant 0 : i32
        %dma_wait3A_154 = tpu.memref_slice %arg13[%dma_wait3A_152, %dma_wait3A_153] : memref<10240x64xf32, #tpu.memory_space<vmem_shared>> -> memref<10240x64xf32, #tpu.memory_space<vmem_shared>>
        tpu.wait_indirect_dma semaphore(%arg21 : memref<!tpu.dma_semaphore, #tpu.memory_space<semaphore_mem>>) src(%arg12 : memref<128x64xf32, #tpu.memory_space<vmem>>) dst(%dma_wait3A_154 : memref<10240x64xf32, #tpu.memory_space<vmem_shared>>)
      } else {
      }
      %add3A_73 = arith.constant 2 : i32
      %add3A_74 = arith.addi %add3A_67, %add3A_73 : i32
      %lt3A_75 = arith.constant 80 : i32
      %lt3A_76 = arith.cmpi slt, %add3A_74, %lt3A_75 : i32
      %convert_element_type3A_77 = arith.extui %lt3A_76 : i1 to i32
      %cond3A_78 = arith.constant 0 : i32
      %cond3A_79 = arith.cmpi ne, %convert_element_type3A_77, %cond3A_78 : i32
      scf.if %cond3A_79 {
        %add3A_148 = arith.constant 2 : i32
        %add3A_149 = arith.addi %add3A_67, %add3A_148 : i32
        %dma_start3A_150 = arith.constant 0 : i32
        %dma_start3A_151 = tpu.memref_slice %arg7[%add3A_149, %dma_start3A_150] : memref<80x128xi32, #tpu.memory_space<vmem>> -> memref<1x128xi32, #tpu.memory_space<vmem>>
        %dma_start3A_152 = tpu.memref_squeeze %dma_start3A_151 : memref<1x128xi32, #tpu.memory_space<vmem>> -> memref<128xi32, #tpu.memory_space<vmem>>
        %dma_start3A_153 = arith.constant 0 : i32
        %dma_start3A_154 = arith.constant 0 : i32
        %dma_start3A_155 = tpu.memref_slice %arg2[%dma_start3A_153, %dma_start3A_154] : memref<10000x64xf32, #tpu.memory_space<hbm>> -> memref<10000x64xf32, #tpu.memory_space<hbm>>
        tpu.enqueue_indirect_dma source(%dma_start3A_155 : memref<10000x64xf32, #tpu.memory_space<hbm>>) target(%arg12 : memref<128x64xf32, #tpu.memory_space<vmem>>) offsets(%dma_start3A_152 : memref<128xi32, #tpu.memory_space<vmem>>) semaphore(%arg17 : memref<!tpu.dma_semaphore, #tpu.memory_space<semaphore_mem>>)
      } else {
      }
      %dma_wait3A_80 = arith.constant 0 : i32
      %dma_wait3A_81 = tpu.memref_slice %arg7[%add3A_67, %dma_wait3A_80] : memref<80x128xi32, #tpu.memory_space<vmem>> -> memref<1x128xi32, #tpu.memory_space<vmem>>
      %dma_wait3A_82 = tpu.memref_squeeze %dma_wait3A_81 : memref<1x128xi32, #tpu.memory_space<vmem>> -> memref<128xi32, #tpu.memory_space<vmem>>
      %dma_wait3A_83 = arith.constant 0 : i32
      %dma_wait3A_84 = arith.constant 0 : i32
      %dma_wait3A_85 = tpu.memref_slice %arg2[%dma_wait3A_83, %dma_wait3A_84] : memref<10000x64xf32, #tpu.memory_space<hbm>> -> memref<10000x64xf32, #tpu.memory_space<hbm>>
      tpu.wait_indirect_dma semaphore(%arg15 : memref<!tpu.dma_semaphore, #tpu.memory_space<semaphore_mem>>) src(%dma_wait3A_85 : memref<10000x64xf32, #tpu.memory_space<hbm>>) dst(%arg10 : memref<128x64xf32, #tpu.memory_space<vmem>>)
      %dma_start3A_86 = arith.constant 0 : i32
      %dma_start3A_87 = tpu.memref_slice %arg8[%add3A_67, %dma_start3A_86] : memref<80x128xi32, #tpu.memory_space<vmem>> -> memref<1x128xi32, #tpu.memory_space<vmem>>
      %dma_start3A_88 = tpu.memref_squeeze %dma_start3A_87 : memref<1x128xi32, #tpu.memory_space<vmem>> -> memref<128xi32, #tpu.memory_space<vmem>>
      %dma_start3A_89 = arith.constant 0 : i32
      %dma_start3A_90 = arith.constant 0 : i32
      %dma_start3A_91 = tpu.memref_slice %arg13[%dma_start3A_89, %dma_start3A_90] : memref<10240x64xf32, #tpu.memory_space<vmem_shared>> -> memref<10240x64xf32, #tpu.memory_space<vmem_shared>>
      tpu.enqueue_indirect_dma source(%arg10 : memref<128x64xf32, #tpu.memory_space<vmem>>) target(%dma_start3A_91 : memref<10240x64xf32, #tpu.memory_space<vmem_shared>>) offsets(%dma_start3A_88 : memref<128xi32, #tpu.memory_space<vmem>>) semaphore(%arg19 : memref<!tpu.dma_semaphore, #tpu.memory_space<semaphore_mem>>) {add = true}
      %mul3A_92 = arith.constant 4 : i32
      %mul3A_93 = arith.muli %mul3A_92, %scan3A_39 : i32
      %add3A_94 = arith.constant 2 : i32
      %add3A_95 = arith.addi %mul3A_93, %add3A_94 : i32
      %ge3A_96 = arith.constant 2 : i32
      %ge3A_97 = arith.cmpi sge, %add3A_95, %ge3A_96 : i32
      %convert_element_type3A_98 = arith.extui %ge3A_97 : i1 to i32
      %cond3A_99 = arith.constant 0 : i32
      %cond3A_100 = arith.cmpi ne, %convert_element_type3A_98, %cond3A_99 : i32
      scf.if %cond3A_100 {
        %sub3A = arith.constant 2 : i32
        %sub3A_148 = arith.subi %add3A_95, %sub3A : i32
        %dma_wait3A_149 = arith.constant 0 : i32
        %dma_wait3A_150 = tpu.memref_slice %arg8[%sub3A_148, %dma_wait3A_149] : memref<80x128xi32, #tpu.memory_space<vmem>> -> memref<1x128xi32, #tpu.memory_space<vmem>>
        %dma_wait3A_151 = tpu.memref_squeeze %dma_wait3A_150 : memref<1x128xi32, #tpu.memory_space<vmem>> -> memref<128xi32, #tpu.memory_space<vmem>>
        %dma_wait3A_152 = arith.constant 0 : i32
        %dma_wait3A_153 = arith.constant 0 : i32
        %dma_wait3A_154 = tpu.memref_slice %arg13[%dma_wait3A_152, %dma_wait3A_153] : memref<10240x64xf32, #tpu.memory_space<vmem_shared>> -> memref<10240x64xf32, #tpu.memory_space<vmem_shared>>
        tpu.wait_indirect_dma semaphore(%arg18 : memref<!tpu.dma_semaphore, #tpu.memory_space<semaphore_mem>>) src(%arg9 : memref<128x64xf32, #tpu.memory_space<vmem>>) dst(%dma_wait3A_154 : memref<10240x64xf32, #tpu.memory_space<vmem_shared>>)
      } else {
      }
      %add3A_101 = arith.constant 2 : i32
      %add3A_102 = arith.addi %add3A_95, %add3A_101 : i32
      %lt3A_103 = arith.constant 80 : i32
      %lt3A_104 = arith.cmpi slt, %add3A_102, %lt3A_103 : i32
      %convert_element_type3A_105 = arith.extui %lt3A_104 : i1 to i32
      %cond3A_106 = arith.constant 0 : i32
      %cond3A_107 = arith.cmpi ne, %convert_element_type3A_105, %cond3A_106 : i32
      scf.if %cond3A_107 {
        %add3A_148 = arith.constant 2 : i32
        %add3A_149 = arith.addi %add3A_95, %add3A_148 : i32
        %dma_start3A_150 = arith.constant 0 : i32
        %dma_start3A_151 = tpu.memref_slice %arg7[%add3A_149, %dma_start3A_150] : memref<80x128xi32, #tpu.memory_space<vmem>> -> memref<1x128xi32, #tpu.memory_space<vmem>>
        %dma_start3A_152 = tpu.memref_squeeze %dma_start3A_151 : memref<1x128xi32, #tpu.memory_space<vmem>> -> memref<128xi32, #tpu.memory_space<vmem>>
        %dma_start3A_153 = arith.constant 0 : i32
        %dma_start3A_154 = arith.constant 0 : i32
        %dma_start3A_155 = tpu.memref_slice %arg2[%dma_start3A_153, %dma_start3A_154] : memref<10000x64xf32, #tpu.memory_space<hbm>> -> memref<10000x64xf32, #tpu.memory_space<hbm>>
        tpu.enqueue_indirect_dma source(%dma_start3A_155 : memref<10000x64xf32, #tpu.memory_space<hbm>>) target(%arg9 : memref<128x64xf32, #tpu.memory_space<vmem>>) offsets(%dma_start3A_152 : memref<128xi32, #tpu.memory_space<vmem>>) semaphore(%arg14 : memref<!tpu.dma_semaphore, #tpu.memory_space<semaphore_mem>>)
      } else {
      }
      %dma_wait3A_108 = arith.constant 0 : i32
      %dma_wait3A_109 = tpu.memref_slice %arg7[%add3A_95, %dma_wait3A_108] : memref<80x128xi32, #tpu.memory_space<vmem>> -> memref<1x128xi32, #tpu.memory_space<vmem>>
      %dma_wait3A_110 = tpu.memref_squeeze %dma_wait3A_109 : memref<1x128xi32, #tpu.memory_space<vmem>> -> memref<128xi32, #tpu.memory_space<vmem>>
      %dma_wait3A_111 = arith.constant 0 : i32
      %dma_wait3A_112 = arith.constant 0 : i32
      %dma_wait3A_113 = tpu.memref_slice %arg2[%dma_wait3A_111, %dma_wait3A_112] : memref<10000x64xf32, #tpu.memory_space<hbm>> -> memref<10000x64xf32, #tpu.memory_space<hbm>>
      tpu.wait_indirect_dma semaphore(%arg16 : memref<!tpu.dma_semaphore, #tpu.memory_space<semaphore_mem>>) src(%dma_wait3A_113 : memref<10000x64xf32, #tpu.memory_space<hbm>>) dst(%arg11 : memref<128x64xf32, #tpu.memory_space<vmem>>)
      %dma_start3A_114 = arith.constant 0 : i32
      %dma_start3A_115 = tpu.memref_slice %arg8[%add3A_95, %dma_start3A_114] : memref<80x128xi32, #tpu.memory_space<vmem>> -> memref<1x128xi32, #tpu.memory_space<vmem>>
      %dma_start3A_116 = tpu.memref_squeeze %dma_start3A_115 : memref<1x128xi32, #tpu.memory_space<vmem>> -> memref<128xi32, #tpu.memory_space<vmem>>
      %dma_start3A_117 = arith.constant 0 : i32
      %dma_start3A_118 = arith.constant 0 : i32
      %dma_start3A_119 = tpu.memref_slice %arg13[%dma_start3A_117, %dma_start3A_118] : memref<10240x64xf32, #tpu.memory_space<vmem_shared>> -> memref<10240x64xf32, #tpu.memory_space<vmem_shared>>
      tpu.enqueue_indirect_dma source(%arg11 : memref<128x64xf32, #tpu.memory_space<vmem>>) target(%dma_start3A_119 : memref<10240x64xf32, #tpu.memory_space<vmem_shared>>) offsets(%dma_start3A_116 : memref<128xi32, #tpu.memory_space<vmem>>) semaphore(%arg20 : memref<!tpu.dma_semaphore, #tpu.memory_space<semaphore_mem>>) {add = true}
      %mul3A_120 = arith.constant 4 : i32
      %mul3A_121 = arith.muli %mul3A_120, %scan3A_39 : i32
      %add3A_122 = arith.constant 3 : i32
      %add3A_123 = arith.addi %mul3A_121, %add3A_122 : i32
      %ge3A_124 = arith.constant 2 : i32
      %ge3A_125 = arith.cmpi sge, %add3A_123, %ge3A_124 : i32
      %convert_element_type3A_126 = arith.extui %ge3A_125 : i1 to i32
      %cond3A_127 = arith.constant 0 : i32
      %cond3A_128 = arith.cmpi ne, %convert_element_type3A_126, %cond3A_127 : i32
      scf.if %cond3A_128 {
        %sub3A = arith.constant 2 : i32
        %sub3A_148 = arith.subi %add3A_123, %sub3A : i32
        %dma_wait3A_149 = arith.constant 0 : i32
        %dma_wait3A_150 = tpu.memref_slice %arg8[%sub3A_148, %dma_wait3A_149] : memref<80x128xi32, #tpu.memory_space<vmem>> -> memref<1x128xi32, #tpu.memory_space<vmem>>
        %dma_wait3A_151 = tpu.memref_squeeze %dma_wait3A_150 : memref<1x128xi32, #tpu.memory_space<vmem>> -> memref<128xi32, #tpu.memory_space<vmem>>
        %dma_wait3A_152 = arith.constant 0 : i32
        %dma_wait3A_153 = arith.constant 0 : i32
        %dma_wait3A_154 = tpu.memref_slice %arg13[%dma_wait3A_152, %dma_wait3A_153] : memref<10240x64xf32, #tpu.memory_space<vmem_shared>> -> memref<10240x64xf32, #tpu.memory_space<vmem_shared>>
        tpu.wait_indirect_dma semaphore(%arg19 : memref<!tpu.dma_semaphore, #tpu.memory_space<semaphore_mem>>) src(%arg10 : memref<128x64xf32, #tpu.memory_space<vmem>>) dst(%dma_wait3A_154 : memref<10240x64xf32, #tpu.memory_space<vmem_shared>>)
      } else {
      }
      %add3A_129 = arith.constant 2 : i32
      %add3A_130 = arith.addi %add3A_123, %add3A_129 : i32
      %lt3A_131 = arith.constant 80 : i32
      %lt3A_132 = arith.cmpi slt, %add3A_130, %lt3A_131 : i32
      %convert_element_type3A_133 = arith.extui %lt3A_132 : i1 to i32
      %cond3A_134 = arith.constant 0 : i32
      %cond3A_135 = arith.cmpi ne, %convert_element_type3A_133, %cond3A_134 : i32
      scf.if %cond3A_135 {
        %add3A_148 = arith.constant 2 : i32
        %add3A_149 = arith.addi %add3A_123, %add3A_148 : i32
        %dma_start3A_150 = arith.constant 0 : i32
        %dma_start3A_151 = tpu.memref_slice %arg7[%add3A_149, %dma_start3A_150] : memref<80x128xi32, #tpu.memory_space<vmem>> -> memref<1x128xi32, #tpu.memory_space<vmem>>
        %dma_start3A_152 = tpu.memref_squeeze %dma_start3A_151 : memref<1x128xi32, #tpu.memory_space<vmem>> -> memref<128xi32, #tpu.memory_space<vmem>>
        %dma_start3A_153 = arith.constant 0 : i32
        %dma_start3A_154 = arith.constant 0 : i32
        %dma_start3A_155 = tpu.memref_slice %arg2[%dma_start3A_153, %dma_start3A_154] : memref<10000x64xf32, #tpu.memory_space<hbm>> -> memref<10000x64xf32, #tpu.memory_space<hbm>>
        tpu.enqueue_indirect_dma source(%dma_start3A_155 : memref<10000x64xf32, #tpu.memory_space<hbm>>) target(%arg10 : memref<128x64xf32, #tpu.memory_space<vmem>>) offsets(%dma_start3A_152 : memref<128xi32, #tpu.memory_space<vmem>>) semaphore(%arg15 : memref<!tpu.dma_semaphore, #tpu.memory_space<semaphore_mem>>)
      } else {
      }
      %dma_wait3A_136 = arith.constant 0 : i32
      %dma_wait3A_137 = tpu.memref_slice %arg7[%add3A_123, %dma_wait3A_136] : memref<80x128xi32, #tpu.memory_space<vmem>> -> memref<1x128xi32, #tpu.memory_space<vmem>>
      %dma_wait3A_138 = tpu.memref_squeeze %dma_wait3A_137 : memref<1x128xi32, #tpu.memory_space<vmem>> -> memref<128xi32, #tpu.memory_space<vmem>>
      %dma_wait3A_139 = arith.constant 0 : i32
      %dma_wait3A_140 = arith.constant 0 : i32
      %dma_wait3A_141 = tpu.memref_slice %arg2[%dma_wait3A_139, %dma_wait3A_140] : memref<10000x64xf32, #tpu.memory_space<hbm>> -> memref<10000x64xf32, #tpu.memory_space<hbm>>
      tpu.wait_indirect_dma semaphore(%arg17 : memref<!tpu.dma_semaphore, #tpu.memory_space<semaphore_mem>>) src(%dma_wait3A_141 : memref<10000x64xf32, #tpu.memory_space<hbm>>) dst(%arg12 : memref<128x64xf32, #tpu.memory_space<vmem>>)
      %dma_start3A_142 = arith.constant 0 : i32
      %dma_start3A_143 = tpu.memref_slice %arg8[%add3A_123, %dma_start3A_142] : memref<80x128xi32, #tpu.memory_space<vmem>> -> memref<1x128xi32, #tpu.memory_space<vmem>>
      %dma_start3A_144 = tpu.memref_squeeze %dma_start3A_143 : memref<1x128xi32, #tpu.memory_space<vmem>> -> memref<128xi32, #tpu.memory_space<vmem>>
      %dma_start3A_145 = arith.constant 0 : i32
      %dma_start3A_146 = arith.constant 0 : i32
      %dma_start3A_147 = tpu.memref_slice %arg13[%dma_start3A_145, %dma_start3A_146] : memref<10240x64xf32, #tpu.memory_space<vmem_shared>> -> memref<10240x64xf32, #tpu.memory_space<vmem_shared>>
      tpu.enqueue_indirect_dma source(%arg12 : memref<128x64xf32, #tpu.memory_space<vmem>>) target(%dma_start3A_147 : memref<10240x64xf32, #tpu.memory_space<vmem_shared>>) offsets(%dma_start3A_144 : memref<128xi32, #tpu.memory_space<vmem>>) semaphore(%arg21 : memref<!tpu.dma_semaphore, #tpu.memory_space<semaphore_mem>>) {add = true}
    }
    %scan3A_20 = arith.constant 20 : i32
    %dma_wait3A = arith.constant 78 : i32
    %dma_wait3A_21 = arith.constant 0 : i32
    %dma_wait3A_22 = tpu.memref_slice %arg8[%dma_wait3A, %dma_wait3A_21] : memref<80x128xi32, #tpu.memory_space<vmem>> -> memref<1x128xi32, #tpu.memory_space<vmem>>
    %dma_wait3A_23 = tpu.memref_squeeze %dma_wait3A_22 : memref<1x128xi32, #tpu.memory_space<vmem>> -> memref<128xi32, #tpu.memory_space<vmem>>
    %dma_wait3A_24 = arith.constant 0 : i32
    %dma_wait3A_25 = arith.constant 0 : i32
    %dma_wait3A_26 = tpu.memref_slice %arg13[%dma_wait3A_24, %dma_wait3A_25] : memref<10240x64xf32, #tpu.memory_space<vmem_shared>> -> memref<10240x64xf32, #tpu.memory_space<vmem_shared>>
    tpu.wait_indirect_dma semaphore(%arg20 : memref<!tpu.dma_semaphore, #tpu.memory_space<semaphore_mem>>) src(%arg11 : memref<128x64xf32, #tpu.memory_space<vmem>>) dst(%dma_wait3A_26 : memref<10240x64xf32, #tpu.memory_space<vmem_shared>>)
    %dma_wait3A_27 = arith.constant 79 : i32
    %dma_wait3A_28 = arith.constant 0 : i32
    %dma_wait3A_29 = tpu.memref_slice %arg8[%dma_wait3A_27, %dma_wait3A_28] : memref<80x128xi32, #tpu.memory_space<vmem>> -> memref<1x128xi32, #tpu.memory_space<vmem>>
    %dma_wait3A_30 = tpu.memref_squeeze %dma_wait3A_29 : memref<1x128xi32, #tpu.memory_space<vmem>> -> memref<128xi32, #tpu.memory_space<vmem>>
    %dma_wait3A_31 = arith.constant 0 : i32
    %dma_wait3A_32 = arith.constant 0 : i32
    %dma_wait3A_33 = tpu.memref_slice %arg13[%dma_wait3A_31, %dma_wait3A_32] : memref<10240x64xf32, #tpu.memory_space<vmem_shared>> -> memref<10240x64xf32, #tpu.memory_space<vmem_shared>>
    tpu.wait_indirect_dma semaphore(%arg21 : memref<!tpu.dma_semaphore, #tpu.memory_space<semaphore_mem>>) src(%arg12 : memref<128x64xf32, #tpu.memory_space<vmem>>) dst(%dma_wait3A_33 : memref<10240x64xf32, #tpu.memory_space<vmem_shared>>)
    %barrier3A_34 = arith.constant 0 : index
    tpu.barrier barrier_id(%barrier3A_34)
    %mul3A_35 = arith.constant 640 : i32
    %mul3A_36 = arith.muli %arg1, %mul3A_35 : i32
    %mul3A_37 = arith.constant 640 : i32
    %mul3A_38 = arith.muli %arg1, %mul3A_37 : i32
    "tpu.region"() ({
      %run_scoped3A = tpu.sem_alloc : memref<!tpu.dma_semaphore, #tpu.memory_space<semaphore_mem>>
      %dma_start3A_39 = arith.constant 0 : i32
      %dma_start3A_40 = tpu.memref_slice %arg6[%arg0, %mul3A_38, %dma_start3A_39] : memref<2x10240x64xf32, #tpu.memory_space<hbm>> -> memref<1x640x64xf32, #tpu.memory_space<hbm>>
      %dma_start3A_41 = tpu.memref_squeeze %dma_start3A_40 : memref<1x640x64xf32, #tpu.memory_space<hbm>> -> memref<640x64xf32, #tpu.memory_space<hbm>>
      %dma_start3A_42 = arith.constant 0 : i32
      %dma_start3A_43 = tpu.memref_slice %arg13[%mul3A_36, %dma_start3A_42] : memref<10240x64xf32, #tpu.memory_space<vmem_shared>> -> memref<640x64xf32, #tpu.memory_space<vmem_shared>>
      tpu.enqueue_dma source(%dma_start3A_43 : memref<640x64xf32, #tpu.memory_space<vmem_shared>>) target(%dma_start3A_41 : memref<640x64xf32, #tpu.memory_space<hbm>>) target_semaphore(%run_scoped3A : memref<!tpu.dma_semaphore, #tpu.memory_space<semaphore_mem>>)
      %dma_wait3A_44 = arith.constant 0 : i32
      %dma_wait3A_45 = tpu.memref_slice %arg6[%arg0, %mul3A_38, %dma_wait3A_44] : memref<2x10240x64xf32, #tpu.memory_space<hbm>> -> memref<1x640x64xf32, #tpu.memory_space<hbm>>
      %dma_wait3A_46 = tpu.memref_squeeze %dma_wait3A_45 : memref<1x640x64xf32, #tpu.memory_space<hbm>> -> memref<640x64xf32, #tpu.memory_space<hbm>>
      %dma_wait3A_47 = arith.constant 0 : i32
      %dma_wait3A_48 = tpu.memref_slice %arg13[%mul3A_36, %dma_wait3A_47] : memref<10240x64xf32, #tpu.memory_space<vmem_shared>> -> memref<640x64xf32, #tpu.memory_space<vmem_shared>>
      tpu.wait_dma2 semaphore(%run_scoped3A : memref<!tpu.dma_semaphore, #tpu.memory_space<semaphore_mem>>) src(%dma_wait3A_48 : memref<640x64xf32, #tpu.memory_space<vmem_shared>>) dst(%dma_wait3A_46 : memref<640x64xf32, #tpu.memory_space<hbm>>)
      tpu.yield
    }) : () -> ()
    return
  }
}

#map = affine_map<(d0, d1) -> (0, 0)>
#map1 = affine_map<(d0, d1) -> (0, 0, 0)>
module attributes {stable_mosaic.version = 14 : i64} {
  func.func @_sc_agg_body(%arg0: i32, %arg1: i32, %arg2: memref<10000x64xf32, #tpu.memory_space<hbm>>, %arg3: memref<32x80x128xi32, #tpu.memory_space<hbm>>, %arg4: memref<32x80x128xi32, #tpu.memory_space<hbm>>, %arg5: memref<640x64xf32, #tpu.memory_space<hbm>>, %arg6: memref<2x10240x64xf32, #tpu.memory_space<hbm>>, %arg7: memref<80x128xi32, #tpu.memory_space<vmem>>, %arg8: memref<80x128xi32, #tpu.memory_space<vmem>>, %arg9: memref<128x64xf32, #tpu.memory_space<vmem>>, %arg10: memref<128x64xf32, #tpu.memory_space<vmem>>, %arg11: memref<128x64xf32, #tpu.memory_space<vmem>>, %arg12: memref<128x64xf32, #tpu.memory_space<vmem>>, %arg13: memref<10240x64xf32, #tpu.memory_space<vmem_shared>>, %arg14: memref<!tpu.dma_semaphore, #tpu.memory_space<semaphore_mem>>, %arg15: memref<!tpu.dma_semaphore, #tpu.memory_space<semaphore_mem>>, %arg16: memref<!tpu.dma_semaphore, #tpu.memory_space<semaphore_mem>>, %arg17: memref<!tpu.dma_semaphore, #tpu.memory_space<semaphore_mem>>, %arg18: memref<!tpu.dma_semaphore, #tpu.memory_space<semaphore_mem>>, %arg19: memref<!tpu.dma_semaphore, #tpu.memory_space<semaphore_mem>>, %arg20: memref<!tpu.dma_semaphore, #tpu.memory_space<semaphore_mem>>, %arg21: memref<!tpu.dma_semaphore, #tpu.memory_space<semaphore_mem>>) attributes {dimension_semantics = [#tpu.dimension_semantics<core_parallel>, #tpu.dimension_semantics<subcore_parallel>], iteration_bounds = array<i64: 2, 16>, scalar_prefetch = 0 : i64, scratch_operands = 15 : i64, tpu.core_type = #tpu.core_type<sc_vector_subcore>, window_params = [{transform_indices = #map}, {transform_indices = #map1}, {transform_indices = #map1}, {transform_indices = #map}, {transform_indices = #map1}]} {
    %mul3A = arith.constant 2 : i32
    %mul3A_0 = arith.muli %arg1, %mul3A : i32
    %add3A = arith.addi %mul3A_0, %arg0 : i32
    %mul3A_1 = arith.constant 640 : i32
    %mul3A_2 = arith.muli %arg1, %mul3A_1 : i32
    "tpu.region"() ({
      %run_scoped3A = tpu.sem_alloc : memref<!tpu.dma_semaphore, #tpu.memory_space<semaphore_mem>>
      %dma_start3A_39 = arith.constant 0 : i32
      %dma_start3A_40 = tpu.memref_slice %arg13[%mul3A_2, %dma_start3A_39] : memref<10240x64xf32, #tpu.memory_space<vmem_shared>> -> memref<640x64xf32, #tpu.memory_space<vmem_shared>>
      tpu.enqueue_dma source(%arg5 : memref<640x64xf32, #tpu.memory_space<hbm>>) target(%dma_start3A_40 : memref<640x64xf32, #tpu.memory_space<vmem_shared>>) target_semaphore(%run_scoped3A : memref<!tpu.dma_semaphore, #tpu.memory_space<semaphore_mem>>)
      %dma_wait3A_41 = arith.constant 0 : i32
      %dma_wait3A_42 = tpu.memref_slice %arg13[%mul3A_2, %dma_wait3A_41] : memref<10240x64xf32, #tpu.memory_space<vmem_shared>> -> memref<640x64xf32, #tpu.memory_space<vmem_shared>>
      tpu.wait_dma2 semaphore(%run_scoped3A : memref<!tpu.dma_semaphore, #tpu.memory_space<semaphore_mem>>) src(%arg5 : memref<640x64xf32, #tpu.memory_space<hbm>>) dst(%dma_wait3A_42 : memref<640x64xf32, #tpu.memory_space<vmem_shared>>)
      tpu.yield
    }) : () -> ()
    "tpu.region"() ({
      %run_scoped3A = tpu.sem_alloc : memref<!tpu.dma_semaphore, #tpu.memory_space<semaphore_mem>>
      %dma_start3A_39 = arith.constant 0 : i32
      %dma_start3A_40 = arith.constant 0 : i32
      %dma_start3A_41 = tpu.memref_slice %arg3[%add3A, %dma_start3A_39, %dma_start3A_40] : memref<32x80x128xi32, #tpu.memory_space<hbm>> -> memref<1x80x128xi32, #tpu.memory_space<hbm>>
      %dma_start3A_42 = tpu.memref_squeeze %dma_start3A_41 : memref<1x80x128xi32, #tpu.memory_space<hbm>> -> memref<80x128xi32, #tpu.memory_space<hbm>>
      %dma_start3A_43 = arith.constant 0 : i32
      %dma_start3A_44 = arith.constant 0 : i32
      %dma_start3A_45 = tpu.memref_slice %arg3[%add3A, %dma_start3A_43, %dma_start3A_44] : memref<32x80x128xi32, #tpu.memory_space<hbm>> -> memref<1x80x128xi32, #tpu.memory_space<hbm>>
      %dma_start3A_46 = tpu.memref_squeeze %dma_start3A_45 : memref<1x80x128xi32, #tpu.memory_space<hbm>> -> memref<80x128xi32, #tpu.memory_space<hbm>>
      tpu.enqueue_dma source(%dma_start3A_46 : memref<80x128xi32, #tpu.memory_space<hbm>>) target(%arg7 : memref<80x128xi32, #tpu.memory_space<vmem>>) target_semaphore(%run_scoped3A : memref<!tpu.dma_semaphore, #tpu.memory_space<semaphore_mem>>)
      %dma_wait3A_47 = arith.constant 0 : i32
      %dma_wait3A_48 = arith.constant 0 : i32
      %dma_wait3A_49 = tpu.memref_slice %arg3[%add3A, %dma_wait3A_47, %dma_wait3A_48] : memref<32x80x128xi32, #tpu.memory_space<hbm>> -> memref<1x80x128xi32, #tpu.memory_space<hbm>>
      %dma_wait3A_50 = tpu.memref_squeeze %dma_wait3A_49 : memref<1x80x128xi32, #tpu.memory_space<hbm>> -> memref<80x128xi32, #tpu.memory_space<hbm>>
      %dma_wait3A_51 = arith.constant 0 : i32
      %dma_wait3A_52 = arith.constant 0 : i32
      %dma_wait3A_53 = tpu.memref_slice %arg3[%add3A, %dma_wait3A_51, %dma_wait3A_52] : memref<32x80x128xi32, #tpu.memory_space<hbm>> -> memref<1x80x128xi32, #tpu.memory_space<hbm>>
      %dma_wait3A_54 = tpu.memref_squeeze %dma_wait3A_53 : memref<1x80x128xi32, #tpu.memory_space<hbm>> -> memref<80x128xi32, #tpu.memory_space<hbm>>
      tpu.wait_dma2 semaphore(%run_scoped3A : memref<!tpu.dma_semaphore, #tpu.memory_space<semaphore_mem>>) src(%dma_wait3A_54 : memref<80x128xi32, #tpu.memory_space<hbm>>) dst(%arg7 : memref<80x128xi32, #tpu.memory_space<vmem>>)
      tpu.yield
    }) : () -> ()
    "tpu.region"() ({
      %run_scoped3A = tpu.sem_alloc : memref<!tpu.dma_semaphore, #tpu.memory_space<semaphore_mem>>
      %dma_start3A_39 = arith.constant 0 : i32
      %dma_start3A_40 = arith.constant 0 : i32
      %dma_start3A_41 = tpu.memref_slice %arg4[%add3A, %dma_start3A_39, %dma_start3A_40] : memref<32x80x128xi32, #tpu.memory_space<hbm>> -> memref<1x80x128xi32, #tpu.memory_space<hbm>>
      %dma_start3A_42 = tpu.memref_squeeze %dma_start3A_41 : memref<1x80x128xi32, #tpu.memory_space<hbm>> -> memref<80x128xi32, #tpu.memory_space<hbm>>
      %dma_start3A_43 = arith.constant 0 : i32
      %dma_start3A_44 = arith.constant 0 : i32
      %dma_start3A_45 = tpu.memref_slice %arg4[%add3A, %dma_start3A_43, %dma_start3A_44] : memref<32x80x128xi32, #tpu.memory_space<hbm>> -> memref<1x80x128xi32, #tpu.memory_space<hbm>>
      %dma_start3A_46 = tpu.memref_squeeze %dma_start3A_45 : memref<1x80x128xi32, #tpu.memory_space<hbm>> -> memref<80x128xi32, #tpu.memory_space<hbm>>
      tpu.enqueue_dma source(%dma_start3A_46 : memref<80x128xi32, #tpu.memory_space<hbm>>) target(%arg8 : memref<80x128xi32, #tpu.memory_space<vmem>>) target_semaphore(%run_scoped3A : memref<!tpu.dma_semaphore, #tpu.memory_space<semaphore_mem>>)
      %dma_wait3A_47 = arith.constant 0 : i32
      %dma_wait3A_48 = arith.constant 0 : i32
      %dma_wait3A_49 = tpu.memref_slice %arg4[%add3A, %dma_wait3A_47, %dma_wait3A_48] : memref<32x80x128xi32, #tpu.memory_space<hbm>> -> memref<1x80x128xi32, #tpu.memory_space<hbm>>
      %dma_wait3A_50 = tpu.memref_squeeze %dma_wait3A_49 : memref<1x80x128xi32, #tpu.memory_space<hbm>> -> memref<80x128xi32, #tpu.memory_space<hbm>>
      %dma_wait3A_51 = arith.constant 0 : i32
      %dma_wait3A_52 = arith.constant 0 : i32
      %dma_wait3A_53 = tpu.memref_slice %arg4[%add3A, %dma_wait3A_51, %dma_wait3A_52] : memref<32x80x128xi32, #tpu.memory_space<hbm>> -> memref<1x80x128xi32, #tpu.memory_space<hbm>>
      %dma_wait3A_54 = tpu.memref_squeeze %dma_wait3A_53 : memref<1x80x128xi32, #tpu.memory_space<hbm>> -> memref<80x128xi32, #tpu.memory_space<hbm>>
      tpu.wait_dma2 semaphore(%run_scoped3A : memref<!tpu.dma_semaphore, #tpu.memory_space<semaphore_mem>>) src(%dma_wait3A_54 : memref<80x128xi32, #tpu.memory_space<hbm>>) dst(%arg8 : memref<80x128xi32, #tpu.memory_space<vmem>>)
      tpu.yield
    }) : () -> ()
    %barrier3A = arith.constant 0 : index
    tpu.barrier barrier_id(%barrier3A)
    %dma_start3A = arith.constant 0 : i32
    %dma_start3A_3 = arith.constant 0 : i32
    %dma_start3A_4 = tpu.memref_slice %arg7[%dma_start3A, %dma_start3A_3] : memref<80x128xi32, #tpu.memory_space<vmem>> -> memref<1x128xi32, #tpu.memory_space<vmem>>
    %dma_start3A_5 = tpu.memref_squeeze %dma_start3A_4 : memref<1x128xi32, #tpu.memory_space<vmem>> -> memref<128xi32, #tpu.memory_space<vmem>>
    %dma_start3A_6 = arith.constant 0 : i32
    %dma_start3A_7 = arith.constant 0 : i32
    %dma_start3A_8 = tpu.memref_slice %arg2[%dma_start3A_6, %dma_start3A_7] : memref<10000x64xf32, #tpu.memory_space<hbm>> -> memref<10000x64xf32, #tpu.memory_space<hbm>>
    tpu.enqueue_indirect_dma source(%dma_start3A_8 : memref<10000x64xf32, #tpu.memory_space<hbm>>) target(%arg9 : memref<128x64xf32, #tpu.memory_space<vmem>>) offsets(%dma_start3A_5 : memref<128xi32, #tpu.memory_space<vmem>>) semaphore(%arg14 : memref<!tpu.dma_semaphore, #tpu.memory_space<semaphore_mem>>)
    %dma_start3A_9 = arith.constant 1 : i32
    %dma_start3A_10 = arith.constant 0 : i32
    %dma_start3A_11 = tpu.memref_slice %arg7[%dma_start3A_9, %dma_start3A_10] : memref<80x128xi32, #tpu.memory_space<vmem>> -> memref<1x128xi32, #tpu.memory_space<vmem>>
    %dma_start3A_12 = tpu.memref_squeeze %dma_start3A_11 : memref<1x128xi32, #tpu.memory_space<vmem>> -> memref<128xi32, #tpu.memory_space<vmem>>
    %dma_start3A_13 = arith.constant 0 : i32
    %dma_start3A_14 = arith.constant 0 : i32
    %dma_start3A_15 = tpu.memref_slice %arg2[%dma_start3A_13, %dma_start3A_14] : memref<10000x64xf32, #tpu.memory_space<hbm>> -> memref<10000x64xf32, #tpu.memory_space<hbm>>
    tpu.enqueue_indirect_dma source(%dma_start3A_15 : memref<10000x64xf32, #tpu.memory_space<hbm>>) target(%arg10 : memref<128x64xf32, #tpu.memory_space<vmem>>) offsets(%dma_start3A_12 : memref<128xi32, #tpu.memory_space<vmem>>) semaphore(%arg15 : memref<!tpu.dma_semaphore, #tpu.memory_space<semaphore_mem>>)
    %scan3A = arith.constant 0 : i32
    %scan3A_16 = arith.constant 0 : i32
    %scan3A_17 = arith.constant 20 : i32
    %scan3A_18 = arith.addi %scan3A_16, %scan3A_17 : i32
    %scan3A_19 = arith.constant 1 : i32
    scf.for %scan3A_39 = %scan3A_16 to %scan3A_18 step %scan3A_19  : i32 {
      %mul3A_40 = arith.constant 4 : i32
      %mul3A_41 = arith.muli %mul3A_40, %scan3A_39 : i32
      %add3A_42 = arith.constant 0 : i32
      %add3A_43 = arith.addi %mul3A_41, %add3A_42 : i32
      %ge3A = arith.constant 2 : i32
      %ge3A_44 = arith.cmpi sge, %add3A_43, %ge3A : i32
      %convert_element_type3A = arith.extui %ge3A_44 : i1 to i32
      %cond3A = arith.constant 0 : i32
      %cond3A_45 = arith.cmpi ne, %convert_element_type3A, %cond3A : i32
      scf.if %cond3A_45 {
        %sub3A = arith.constant 2 : i32
        %sub3A_148 = arith.subi %add3A_43, %sub3A : i32
        %dma_wait3A_149 = arith.constant 0 : i32
        %dma_wait3A_150 = tpu.memref_slice %arg8[%sub3A_148, %dma_wait3A_149] : memref<80x128xi32, #tpu.memory_space<vmem>> -> memref<1x128xi32, #tpu.memory_space<vmem>>
        %dma_wait3A_151 = tpu.memref_squeeze %dma_wait3A_150 : memref<1x128xi32, #tpu.memory_space<vmem>> -> memref<128xi32, #tpu.memory_space<vmem>>
        %dma_wait3A_152 = arith.constant 0 : i32
        %dma_wait3A_153 = arith.constant 0 : i32
        %dma_wait3A_154 = tpu.memref_slice %arg13[%dma_wait3A_152, %dma_wait3A_153] : memref<10240x64xf32, #tpu.memory_space<vmem_shared>> -> memref<10240x64xf32, #tpu.memory_space<vmem_shared>>
        tpu.wait_indirect_dma semaphore(%arg20 : memref<!tpu.dma_semaphore, #tpu.memory_space<semaphore_mem>>) src(%arg11 : memref<128x64xf32, #tpu.memory_space<vmem>>) dst(%dma_wait3A_154 : memref<10240x64xf32, #tpu.memory_space<vmem_shared>>)
      } else {
      }
      %add3A_46 = arith.constant 2 : i32
      %add3A_47 = arith.addi %add3A_43, %add3A_46 : i32
      %lt3A = arith.constant 80 : i32
      %lt3A_48 = arith.cmpi slt, %add3A_47, %lt3A : i32
      %convert_element_type3A_49 = arith.extui %lt3A_48 : i1 to i32
      %cond3A_50 = arith.constant 0 : i32
      %cond3A_51 = arith.cmpi ne, %convert_element_type3A_49, %cond3A_50 : i32
      scf.if %cond3A_51 {
        %add3A_148 = arith.constant 2 : i32
        %add3A_149 = arith.addi %add3A_43, %add3A_148 : i32
        %dma_start3A_150 = arith.constant 0 : i32
        %dma_start3A_151 = tpu.memref_slice %arg7[%add3A_149, %dma_start3A_150] : memref<80x128xi32, #tpu.memory_space<vmem>> -> memref<1x128xi32, #tpu.memory_space<vmem>>
        %dma_start3A_152 = tpu.memref_squeeze %dma_start3A_151 : memref<1x128xi32, #tpu.memory_space<vmem>> -> memref<128xi32, #tpu.memory_space<vmem>>
        %dma_start3A_153 = arith.constant 0 : i32
        %dma_start3A_154 = arith.constant 0 : i32
        %dma_start3A_155 = tpu.memref_slice %arg2[%dma_start3A_153, %dma_start3A_154] : memref<10000x64xf32, #tpu.memory_space<hbm>> -> memref<10000x64xf32, #tpu.memory_space<hbm>>
        tpu.enqueue_indirect_dma source(%dma_start3A_155 : memref<10000x64xf32, #tpu.memory_space<hbm>>) target(%arg11 : memref<128x64xf32, #tpu.memory_space<vmem>>) offsets(%dma_start3A_152 : memref<128xi32, #tpu.memory_space<vmem>>) semaphore(%arg16 : memref<!tpu.dma_semaphore, #tpu.memory_space<semaphore_mem>>)
      } else {
      }
      %dma_wait3A_52 = arith.constant 0 : i32
      %dma_wait3A_53 = tpu.memref_slice %arg7[%add3A_43, %dma_wait3A_52] : memref<80x128xi32, #tpu.memory_space<vmem>> -> memref<1x128xi32, #tpu.memory_space<vmem>>
      %dma_wait3A_54 = tpu.memref_squeeze %dma_wait3A_53 : memref<1x128xi32, #tpu.memory_space<vmem>> -> memref<128xi32, #tpu.memory_space<vmem>>
      %dma_wait3A_55 = arith.constant 0 : i32
      %dma_wait3A_56 = arith.constant 0 : i32
      %dma_wait3A_57 = tpu.memref_slice %arg2[%dma_wait3A_55, %dma_wait3A_56] : memref<10000x64xf32, #tpu.memory_space<hbm>> -> memref<10000x64xf32, #tpu.memory_space<hbm>>
      tpu.wait_indirect_dma semaphore(%arg14 : memref<!tpu.dma_semaphore, #tpu.memory_space<semaphore_mem>>) src(%dma_wait3A_57 : memref<10000x64xf32, #tpu.memory_space<hbm>>) dst(%arg9 : memref<128x64xf32, #tpu.memory_space<vmem>>)
      %dma_start3A_58 = arith.constant 0 : i32
      %dma_start3A_59 = tpu.memref_slice %arg8[%add3A_43, %dma_start3A_58] : memref<80x128xi32, #tpu.memory_space<vmem>> -> memref<1x128xi32, #tpu.memory_space<vmem>>
      %dma_start3A_60 = tpu.memref_squeeze %dma_start3A_59 : memref<1x128xi32, #tpu.memory_space<vmem>> -> memref<128xi32, #tpu.memory_space<vmem>>
      %dma_start3A_61 = arith.constant 0 : i32
      %dma_start3A_62 = arith.constant 0 : i32
      %dma_start3A_63 = tpu.memref_slice %arg13[%dma_start3A_61, %dma_start3A_62] : memref<10240x64xf32, #tpu.memory_space<vmem_shared>> -> memref<10240x64xf32, #tpu.memory_space<vmem_shared>>
      tpu.enqueue_indirect_dma source(%arg9 : memref<128x64xf32, #tpu.memory_space<vmem>>) target(%dma_start3A_63 : memref<10240x64xf32, #tpu.memory_space<vmem_shared>>) offsets(%dma_start3A_60 : memref<128xi32, #tpu.memory_space<vmem>>) semaphore(%arg18 : memref<!tpu.dma_semaphore, #tpu.memory_space<semaphore_mem>>) {add = true}
      %mul3A_64 = arith.constant 4 : i32
      %mul3A_65 = arith.muli %mul3A_64, %scan3A_39 : i32
      %add3A_66 = arith.constant 1 : i32
      %add3A_67 = arith.addi %mul3A_65, %add3A_66 : i32
      %ge3A_68 = arith.constant 2 : i32
      %ge3A_69 = arith.cmpi sge, %add3A_67, %ge3A_68 : i32
      %convert_element_type3A_70 = arith.extui %ge3A_69 : i1 to i32
      %cond3A_71 = arith.constant 0 : i32
      %cond3A_72 = arith.cmpi ne, %convert_element_type3A_70, %cond3A_71 : i32
      scf.if %cond3A_72 {
        %sub3A = arith.constant 2 : i32
        %sub3A_148 = arith.subi %add3A_67, %sub3A : i32
        %dma_wait3A_149 = arith.constant 0 : i32
        %dma_wait3A_150 = tpu.memref_slice %arg8[%sub3A_148, %dma_wait3A_149] : memref<80x128xi32, #tpu.memory_space<vmem>> -> memref<1x128xi32, #tpu.memory_space<vmem>>
        %dma_wait3A_151 = tpu.memref_squeeze %dma_wait3A_150 : memref<1x128xi32, #tpu.memory_space<vmem>> -> memref<128xi32, #tpu.memory_space<vmem>>
        %dma_wait3A_152 = arith.constant 0 : i32
        %dma_wait3A_153 = arith.constant 0 : i32
        %dma_wait3A_154 = tpu.memref_slice %arg13[%dma_wait3A_152, %dma_wait3A_153] : memref<10240x64xf32, #tpu.memory_space<vmem_shared>> -> memref<10240x64xf32, #tpu.memory_space<vmem_shared>>
        tpu.wait_indirect_dma semaphore(%arg21 : memref<!tpu.dma_semaphore, #tpu.memory_space<semaphore_mem>>) src(%arg12 : memref<128x64xf32, #tpu.memory_space<vmem>>) dst(%dma_wait3A_154 : memref<10240x64xf32, #tpu.memory_space<vmem_shared>>)
      } else {
      }
      %add3A_73 = arith.constant 2 : i32
      %add3A_74 = arith.addi %add3A_67, %add3A_73 : i32
      %lt3A_75 = arith.constant 80 : i32
      %lt3A_76 = arith.cmpi slt, %add3A_74, %lt3A_75 : i32
      %convert_element_type3A_77 = arith.extui %lt3A_76 : i1 to i32
      %cond3A_78 = arith.constant 0 : i32
      %cond3A_79 = arith.cmpi ne, %convert_element_type3A_77, %cond3A_78 : i32
      scf.if %cond3A_79 {
        %add3A_148 = arith.constant 2 : i32
        %add3A_149 = arith.addi %add3A_67, %add3A_148 : i32
        %dma_start3A_150 = arith.constant 0 : i32
        %dma_start3A_151 = tpu.memref_slice %arg7[%add3A_149, %dma_start3A_150] : memref<80x128xi32, #tpu.memory_space<vmem>> -> memref<1x128xi32, #tpu.memory_space<vmem>>
        %dma_start3A_152 = tpu.memref_squeeze %dma_start3A_151 : memref<1x128xi32, #tpu.memory_space<vmem>> -> memref<128xi32, #tpu.memory_space<vmem>>
        %dma_start3A_153 = arith.constant 0 : i32
        %dma_start3A_154 = arith.constant 0 : i32
        %dma_start3A_155 = tpu.memref_slice %arg2[%dma_start3A_153, %dma_start3A_154] : memref<10000x64xf32, #tpu.memory_space<hbm>> -> memref<10000x64xf32, #tpu.memory_space<hbm>>
        tpu.enqueue_indirect_dma source(%dma_start3A_155 : memref<10000x64xf32, #tpu.memory_space<hbm>>) target(%arg12 : memref<128x64xf32, #tpu.memory_space<vmem>>) offsets(%dma_start3A_152 : memref<128xi32, #tpu.memory_space<vmem>>) semaphore(%arg17 : memref<!tpu.dma_semaphore, #tpu.memory_space<semaphore_mem>>)
      } else {
      }
      %dma_wait3A_80 = arith.constant 0 : i32
      %dma_wait3A_81 = tpu.memref_slice %arg7[%add3A_67, %dma_wait3A_80] : memref<80x128xi32, #tpu.memory_space<vmem>> -> memref<1x128xi32, #tpu.memory_space<vmem>>
      %dma_wait3A_82 = tpu.memref_squeeze %dma_wait3A_81 : memref<1x128xi32, #tpu.memory_space<vmem>> -> memref<128xi32, #tpu.memory_space<vmem>>
      %dma_wait3A_83 = arith.constant 0 : i32
      %dma_wait3A_84 = arith.constant 0 : i32
      %dma_wait3A_85 = tpu.memref_slice %arg2[%dma_wait3A_83, %dma_wait3A_84] : memref<10000x64xf32, #tpu.memory_space<hbm>> -> memref<10000x64xf32, #tpu.memory_space<hbm>>
      tpu.wait_indirect_dma semaphore(%arg15 : memref<!tpu.dma_semaphore, #tpu.memory_space<semaphore_mem>>) src(%dma_wait3A_85 : memref<10000x64xf32, #tpu.memory_space<hbm>>) dst(%arg10 : memref<128x64xf32, #tpu.memory_space<vmem>>)
      %dma_start3A_86 = arith.constant 0 : i32
      %dma_start3A_87 = tpu.memref_slice %arg8[%add3A_67, %dma_start3A_86] : memref<80x128xi32, #tpu.memory_space<vmem>> -> memref<1x128xi32, #tpu.memory_space<vmem>>
      %dma_start3A_88 = tpu.memref_squeeze %dma_start3A_87 : memref<1x128xi32, #tpu.memory_space<vmem>> -> memref<128xi32, #tpu.memory_space<vmem>>
      %dma_start3A_89 = arith.constant 0 : i32
      %dma_start3A_90 = arith.constant 0 : i32
      %dma_start3A_91 = tpu.memref_slice %arg13[%dma_start3A_89, %dma_start3A_90] : memref<10240x64xf32, #tpu.memory_space<vmem_shared>> -> memref<10240x64xf32, #tpu.memory_space<vmem_shared>>
      tpu.enqueue_indirect_dma source(%arg10 : memref<128x64xf32, #tpu.memory_space<vmem>>) target(%dma_start3A_91 : memref<10240x64xf32, #tpu.memory_space<vmem_shared>>) offsets(%dma_start3A_88 : memref<128xi32, #tpu.memory_space<vmem>>) semaphore(%arg19 : memref<!tpu.dma_semaphore, #tpu.memory_space<semaphore_mem>>) {add = true}
      %mul3A_92 = arith.constant 4 : i32
      %mul3A_93 = arith.muli %mul3A_92, %scan3A_39 : i32
      %add3A_94 = arith.constant 2 : i32
      %add3A_95 = arith.addi %mul3A_93, %add3A_94 : i32
      %ge3A_96 = arith.constant 2 : i32
      %ge3A_97 = arith.cmpi sge, %add3A_95, %ge3A_96 : i32
      %convert_element_type3A_98 = arith.extui %ge3A_97 : i1 to i32
      %cond3A_99 = arith.constant 0 : i32
      %cond3A_100 = arith.cmpi ne, %convert_element_type3A_98, %cond3A_99 : i32
      scf.if %cond3A_100 {
        %sub3A = arith.constant 2 : i32
        %sub3A_148 = arith.subi %add3A_95, %sub3A : i32
        %dma_wait3A_149 = arith.constant 0 : i32
        %dma_wait3A_150 = tpu.memref_slice %arg8[%sub3A_148, %dma_wait3A_149] : memref<80x128xi32, #tpu.memory_space<vmem>> -> memref<1x128xi32, #tpu.memory_space<vmem>>
        %dma_wait3A_151 = tpu.memref_squeeze %dma_wait3A_150 : memref<1x128xi32, #tpu.memory_space<vmem>> -> memref<128xi32, #tpu.memory_space<vmem>>
        %dma_wait3A_152 = arith.constant 0 : i32
        %dma_wait3A_153 = arith.constant 0 : i32
        %dma_wait3A_154 = tpu.memref_slice %arg13[%dma_wait3A_152, %dma_wait3A_153] : memref<10240x64xf32, #tpu.memory_space<vmem_shared>> -> memref<10240x64xf32, #tpu.memory_space<vmem_shared>>
        tpu.wait_indirect_dma semaphore(%arg18 : memref<!tpu.dma_semaphore, #tpu.memory_space<semaphore_mem>>) src(%arg9 : memref<128x64xf32, #tpu.memory_space<vmem>>) dst(%dma_wait3A_154 : memref<10240x64xf32, #tpu.memory_space<vmem_shared>>)
      } else {
      }
      %add3A_101 = arith.constant 2 : i32
      %add3A_102 = arith.addi %add3A_95, %add3A_101 : i32
      %lt3A_103 = arith.constant 80 : i32
      %lt3A_104 = arith.cmpi slt, %add3A_102, %lt3A_103 : i32
      %convert_element_type3A_105 = arith.extui %lt3A_104 : i1 to i32
      %cond3A_106 = arith.constant 0 : i32
      %cond3A_107 = arith.cmpi ne, %convert_element_type3A_105, %cond3A_106 : i32
      scf.if %cond3A_107 {
        %add3A_148 = arith.constant 2 : i32
        %add3A_149 = arith.addi %add3A_95, %add3A_148 : i32
        %dma_start3A_150 = arith.constant 0 : i32
        %dma_start3A_151 = tpu.memref_slice %arg7[%add3A_149, %dma_start3A_150] : memref<80x128xi32, #tpu.memory_space<vmem>> -> memref<1x128xi32, #tpu.memory_space<vmem>>
        %dma_start3A_152 = tpu.memref_squeeze %dma_start3A_151 : memref<1x128xi32, #tpu.memory_space<vmem>> -> memref<128xi32, #tpu.memory_space<vmem>>
        %dma_start3A_153 = arith.constant 0 : i32
        %dma_start3A_154 = arith.constant 0 : i32
        %dma_start3A_155 = tpu.memref_slice %arg2[%dma_start3A_153, %dma_start3A_154] : memref<10000x64xf32, #tpu.memory_space<hbm>> -> memref<10000x64xf32, #tpu.memory_space<hbm>>
        tpu.enqueue_indirect_dma source(%dma_start3A_155 : memref<10000x64xf32, #tpu.memory_space<hbm>>) target(%arg9 : memref<128x64xf32, #tpu.memory_space<vmem>>) offsets(%dma_start3A_152 : memref<128xi32, #tpu.memory_space<vmem>>) semaphore(%arg14 : memref<!tpu.dma_semaphore, #tpu.memory_space<semaphore_mem>>)
      } else {
      }
      %dma_wait3A_108 = arith.constant 0 : i32
      %dma_wait3A_109 = tpu.memref_slice %arg7[%add3A_95, %dma_wait3A_108] : memref<80x128xi32, #tpu.memory_space<vmem>> -> memref<1x128xi32, #tpu.memory_space<vmem>>
      %dma_wait3A_110 = tpu.memref_squeeze %dma_wait3A_109 : memref<1x128xi32, #tpu.memory_space<vmem>> -> memref<128xi32, #tpu.memory_space<vmem>>
      %dma_wait3A_111 = arith.constant 0 : i32
      %dma_wait3A_112 = arith.constant 0 : i32
      %dma_wait3A_113 = tpu.memref_slice %arg2[%dma_wait3A_111, %dma_wait3A_112] : memref<10000x64xf32, #tpu.memory_space<hbm>> -> memref<10000x64xf32, #tpu.memory_space<hbm>>
      tpu.wait_indirect_dma semaphore(%arg16 : memref<!tpu.dma_semaphore, #tpu.memory_space<semaphore_mem>>) src(%dma_wait3A_113 : memref<10000x64xf32, #tpu.memory_space<hbm>>) dst(%arg11 : memref<128x64xf32, #tpu.memory_space<vmem>>)
      %dma_start3A_114 = arith.constant 0 : i32
      %dma_start3A_115 = tpu.memref_slice %arg8[%add3A_95, %dma_start3A_114] : memref<80x128xi32, #tpu.memory_space<vmem>> -> memref<1x128xi32, #tpu.memory_space<vmem>>
      %dma_start3A_116 = tpu.memref_squeeze %dma_start3A_115 : memref<1x128xi32, #tpu.memory_space<vmem>> -> memref<128xi32, #tpu.memory_space<vmem>>
      %dma_start3A_117 = arith.constant 0 : i32
      %dma_start3A_118 = arith.constant 0 : i32
      %dma_start3A_119 = tpu.memref_slice %arg13[%dma_start3A_117, %dma_start3A_118] : memref<10240x64xf32, #tpu.memory_space<vmem_shared>> -> memref<10240x64xf32, #tpu.memory_space<vmem_shared>>
      tpu.enqueue_indirect_dma source(%arg11 : memref<128x64xf32, #tpu.memory_space<vmem>>) target(%dma_start3A_119 : memref<10240x64xf32, #tpu.memory_space<vmem_shared>>) offsets(%dma_start3A_116 : memref<128xi32, #tpu.memory_space<vmem>>) semaphore(%arg20 : memref<!tpu.dma_semaphore, #tpu.memory_space<semaphore_mem>>) {add = true}
      %mul3A_120 = arith.constant 4 : i32
      %mul3A_121 = arith.muli %mul3A_120, %scan3A_39 : i32
      %add3A_122 = arith.constant 3 : i32
      %add3A_123 = arith.addi %mul3A_121, %add3A_122 : i32
      %ge3A_124 = arith.constant 2 : i32
      %ge3A_125 = arith.cmpi sge, %add3A_123, %ge3A_124 : i32
      %convert_element_type3A_126 = arith.extui %ge3A_125 : i1 to i32
      %cond3A_127 = arith.constant 0 : i32
      %cond3A_128 = arith.cmpi ne, %convert_element_type3A_126, %cond3A_127 : i32
      scf.if %cond3A_128 {
        %sub3A = arith.constant 2 : i32
        %sub3A_148 = arith.subi %add3A_123, %sub3A : i32
        %dma_wait3A_149 = arith.constant 0 : i32
        %dma_wait3A_150 = tpu.memref_slice %arg8[%sub3A_148, %dma_wait3A_149] : memref<80x128xi32, #tpu.memory_space<vmem>> -> memref<1x128xi32, #tpu.memory_space<vmem>>
        %dma_wait3A_151 = tpu.memref_squeeze %dma_wait3A_150 : memref<1x128xi32, #tpu.memory_space<vmem>> -> memref<128xi32, #tpu.memory_space<vmem>>
        %dma_wait3A_152 = arith.constant 0 : i32
        %dma_wait3A_153 = arith.constant 0 : i32
        %dma_wait3A_154 = tpu.memref_slice %arg13[%dma_wait3A_152, %dma_wait3A_153] : memref<10240x64xf32, #tpu.memory_space<vmem_shared>> -> memref<10240x64xf32, #tpu.memory_space<vmem_shared>>
        tpu.wait_indirect_dma semaphore(%arg19 : memref<!tpu.dma_semaphore, #tpu.memory_space<semaphore_mem>>) src(%arg10 : memref<128x64xf32, #tpu.memory_space<vmem>>) dst(%dma_wait3A_154 : memref<10240x64xf32, #tpu.memory_space<vmem_shared>>)
      } else {
      }
      %add3A_129 = arith.constant 2 : i32
      %add3A_130 = arith.addi %add3A_123, %add3A_129 : i32
      %lt3A_131 = arith.constant 80 : i32
      %lt3A_132 = arith.cmpi slt, %add3A_130, %lt3A_131 : i32
      %convert_element_type3A_133 = arith.extui %lt3A_132 : i1 to i32
      %cond3A_134 = arith.constant 0 : i32
      %cond3A_135 = arith.cmpi ne, %convert_element_type3A_133, %cond3A_134 : i32
      scf.if %cond3A_135 {
        %add3A_148 = arith.constant 2 : i32
        %add3A_149 = arith.addi %add3A_123, %add3A_148 : i32
        %dma_start3A_150 = arith.constant 0 : i32
        %dma_start3A_151 = tpu.memref_slice %arg7[%add3A_149, %dma_start3A_150] : memref<80x128xi32, #tpu.memory_space<vmem>> -> memref<1x128xi32, #tpu.memory_space<vmem>>
        %dma_start3A_152 = tpu.memref_squeeze %dma_start3A_151 : memref<1x128xi32, #tpu.memory_space<vmem>> -> memref<128xi32, #tpu.memory_space<vmem>>
        %dma_start3A_153 = arith.constant 0 : i32
        %dma_start3A_154 = arith.constant 0 : i32
        %dma_start3A_155 = tpu.memref_slice %arg2[%dma_start3A_153, %dma_start3A_154] : memref<10000x64xf32, #tpu.memory_space<hbm>> -> memref<10000x64xf32, #tpu.memory_space<hbm>>
        tpu.enqueue_indirect_dma source(%dma_start3A_155 : memref<10000x64xf32, #tpu.memory_space<hbm>>) target(%arg10 : memref<128x64xf32, #tpu.memory_space<vmem>>) offsets(%dma_start3A_152 : memref<128xi32, #tpu.memory_space<vmem>>) semaphore(%arg15 : memref<!tpu.dma_semaphore, #tpu.memory_space<semaphore_mem>>)
      } else {
      }
      %dma_wait3A_136 = arith.constant 0 : i32
      %dma_wait3A_137 = tpu.memref_slice %arg7[%add3A_123, %dma_wait3A_136] : memref<80x128xi32, #tpu.memory_space<vmem>> -> memref<1x128xi32, #tpu.memory_space<vmem>>
      %dma_wait3A_138 = tpu.memref_squeeze %dma_wait3A_137 : memref<1x128xi32, #tpu.memory_space<vmem>> -> memref<128xi32, #tpu.memory_space<vmem>>
      %dma_wait3A_139 = arith.constant 0 : i32
      %dma_wait3A_140 = arith.constant 0 : i32
      %dma_wait3A_141 = tpu.memref_slice %arg2[%dma_wait3A_139, %dma_wait3A_140] : memref<10000x64xf32, #tpu.memory_space<hbm>> -> memref<10000x64xf32, #tpu.memory_space<hbm>>
      tpu.wait_indirect_dma semaphore(%arg17 : memref<!tpu.dma_semaphore, #tpu.memory_space<semaphore_mem>>) src(%dma_wait3A_141 : memref<10000x64xf32, #tpu.memory_space<hbm>>) dst(%arg12 : memref<128x64xf32, #tpu.memory_space<vmem>>)
      %dma_start3A_142 = arith.constant 0 : i32
      %dma_start3A_143 = tpu.memref_slice %arg8[%add3A_123, %dma_start3A_142] : memref<80x128xi32, #tpu.memory_space<vmem>> -> memref<1x128xi32, #tpu.memory_space<vmem>>
      %dma_start3A_144 = tpu.memref_squeeze %dma_start3A_143 : memref<1x128xi32, #tpu.memory_space<vmem>> -> memref<128xi32, #tpu.memory_space<vmem>>
      %dma_start3A_145 = arith.constant 0 : i32
      %dma_start3A_146 = arith.constant 0 : i32
      %dma_start3A_147 = tpu.memref_slice %arg13[%dma_start3A_145, %dma_start3A_146] : memref<10240x64xf32, #tpu.memory_space<vmem_shared>> -> memref<10240x64xf32, #tpu.memory_space<vmem_shared>>
      tpu.enqueue_indirect_dma source(%arg12 : memref<128x64xf32, #tpu.memory_space<vmem>>) target(%dma_start3A_147 : memref<10240x64xf32, #tpu.memory_space<vmem_shared>>) offsets(%dma_start3A_144 : memref<128xi32, #tpu.memory_space<vmem>>) semaphore(%arg21 : memref<!tpu.dma_semaphore, #tpu.memory_space<semaphore_mem>>) {add = true}
    }
    %scan3A_20 = arith.constant 20 : i32
    %dma_wait3A = arith.constant 78 : i32
    %dma_wait3A_21 = arith.constant 0 : i32
    %dma_wait3A_22 = tpu.memref_slice %arg8[%dma_wait3A, %dma_wait3A_21] : memref<80x128xi32, #tpu.memory_space<vmem>> -> memref<1x128xi32, #tpu.memory_space<vmem>>
    %dma_wait3A_23 = tpu.memref_squeeze %dma_wait3A_22 : memref<1x128xi32, #tpu.memory_space<vmem>> -> memref<128xi32, #tpu.memory_space<vmem>>
    %dma_wait3A_24 = arith.constant 0 : i32
    %dma_wait3A_25 = arith.constant 0 : i32
    %dma_wait3A_26 = tpu.memref_slice %arg13[%dma_wait3A_24, %dma_wait3A_25] : memref<10240x64xf32, #tpu.memory_space<vmem_shared>> -> memref<10240x64xf32, #tpu.memory_space<vmem_shared>>
    tpu.wait_indirect_dma semaphore(%arg20 : memref<!tpu.dma_semaphore, #tpu.memory_space<semaphore_mem>>) src(%arg11 : memref<128x64xf32, #tpu.memory_space<vmem>>) dst(%dma_wait3A_26 : memref<10240x64xf32, #tpu.memory_space<vmem_shared>>)
    %dma_wait3A_27 = arith.constant 79 : i32
    %dma_wait3A_28 = arith.constant 0 : i32
    %dma_wait3A_29 = tpu.memref_slice %arg8[%dma_wait3A_27, %dma_wait3A_28] : memref<80x128xi32, #tpu.memory_space<vmem>> -> memref<1x128xi32, #tpu.memory_space<vmem>>
    %dma_wait3A_30 = tpu.memref_squeeze %dma_wait3A_29 : memref<1x128xi32, #tpu.memory_space<vmem>> -> memref<128xi32, #tpu.memory_space<vmem>>
    %dma_wait3A_31 = arith.constant 0 : i32
    %dma_wait3A_32 = arith.constant 0 : i32
    %dma_wait3A_33 = tpu.memref_slice %arg13[%dma_wait3A_31, %dma_wait3A_32] : memref<10240x64xf32, #tpu.memory_space<vmem_shared>> -> memref<10240x64xf32, #tpu.memory_space<vmem_shared>>
    tpu.wait_indirect_dma semaphore(%arg21 : memref<!tpu.dma_semaphore, #tpu.memory_space<semaphore_mem>>) src(%arg12 : memref<128x64xf32, #tpu.memory_space<vmem>>) dst(%dma_wait3A_33 : memref<10240x64xf32, #tpu.memory_space<vmem_shared>>)
    %barrier3A_34 = arith.constant 0 : index
    tpu.barrier barrier_id(%barrier3A_34)
    %mul3A_35 = arith.constant 640 : i32
    %mul3A_36 = arith.muli %arg1, %mul3A_35 : i32
    %mul3A_37 = arith.constant 640 : i32
    %mul3A_38 = arith.muli %arg1, %mul3A_37 : i32
    "tpu.region"() ({
      %run_scoped3A = tpu.sem_alloc : memref<!tpu.dma_semaphore, #tpu.memory_space<semaphore_mem>>
      %dma_start3A_39 = arith.constant 0 : i32
      %dma_start3A_40 = tpu.memref_slice %arg6[%arg0, %mul3A_38, %dma_start3A_39] : memref<2x10240x64xf32, #tpu.memory_space<hbm>> -> memref<1x640x64xf32, #tpu.memory_space<hbm>>
      %dma_start3A_41 = tpu.memref_squeeze %dma_start3A_40 : memref<1x640x64xf32, #tpu.memory_space<hbm>> -> memref<640x64xf32, #tpu.memory_space<hbm>>
      %dma_start3A_42 = arith.constant 0 : i32
      %dma_start3A_43 = tpu.memref_slice %arg13[%mul3A_36, %dma_start3A_42] : memref<10240x64xf32, #tpu.memory_space<vmem_shared>> -> memref<640x64xf32, #tpu.memory_space<vmem_shared>>
      tpu.enqueue_dma source(%dma_start3A_43 : memref<640x64xf32, #tpu.memory_space<vmem_shared>>) target(%dma_start3A_41 : memref<640x64xf32, #tpu.memory_space<hbm>>) target_semaphore(%run_scoped3A : memref<!tpu.dma_semaphore, #tpu.memory_space<semaphore_mem>>)
      %dma_wait3A_44 = arith.constant 0 : i32
      %dma_wait3A_45 = tpu.memref_slice %arg6[%arg0, %mul3A_38, %dma_wait3A_44] : memref<2x10240x64xf32, #tpu.memory_space<hbm>> -> memref<1x640x64xf32, #tpu.memory_space<hbm>>
      %dma_wait3A_46 = tpu.memref_squeeze %dma_wait3A_45 : memref<1x640x64xf32, #tpu.memory_space<hbm>> -> memref<640x64xf32, #tpu.memory_space<hbm>>
      %dma_wait3A_47 = arith.constant 0 : i32
      %dma_wait3A_48 = tpu.memref_slice %arg13[%mul3A_36, %dma_wait3A_47] : memref<10240x64xf32, #tpu.memory_space<vmem_shared>> -> memref<640x64xf32, #tpu.memory_space<vmem_shared>>
      tpu.wait_dma2 semaphore(%run_scoped3A : memref<!tpu.dma_semaphore, #tpu.memory_space<semaphore_mem>>) src(%dma_wait3A_48 : memref<640x64xf32, #tpu.memory_space<vmem_shared>>) dst(%dma_wait3A_46 : memref<640x64xf32, #tpu.memory_space<hbm>>)
      tpu.yield
    }) : () -> ()
    return
  }
}

module attributes {stable_mosaic.version = 14 : i64} {
  func.func @_mm_body(%arg0: i32, %arg1: memref<1000x128xf32, #tpu.memory_space<vmem>>, %arg2: memref<128x64xf32, #tpu.memory_space<vmem>>, %arg3: memref<1000x64xf32, #tpu.memory_space<vmem>>) attributes {dimension_semantics = [#tpu.dimension_semantics<arbitrary>], iteration_bounds = array<i64: 10>, scalar_prefetch = 0 : i64, scratch_operands = 0 : i64, tpu.core_type = #tpu.core_type<tc>, window_params = [{transform_indices = @transform_0, window_bounds = array<i64: 1000, 128>}, {pipeline_mode = #tpu.pipeline_mode<synchronous>, transform_indices = @transform_1, window_bounds = array<i64: 128, 64>}, {transform_indices = @transform_2, window_bounds = array<i64: 1000, 64>}]} {
    %get3A = arith.constant 0 : index
    %get3A_0 = arith.constant 0 : index
    %get3A_1 = vector.load %arg1[%get3A, %get3A_0] : memref<1000x128xf32, #tpu.memory_space<vmem>>, vector<1000x128xf32>
    %get3A_2 = arith.constant 0 : index
    %get3A_3 = arith.constant 0 : index
    %get3A_4 = vector.load %arg2[%get3A_2, %get3A_3] : memref<128x64xf32, #tpu.memory_space<vmem>>, vector<128x64xf32>
    %dot_general3A = arith.constant dense<0.000000e+00> : vector<1000x64xf32>
    %dot_general3A_5 = tpu.matmul %get3A_1, %get3A_4, %dot_general3A {dimension_numbers = #tpu.dot_dimension_numbers<[1], [0], [0], [1], [0, 0, 1, 1], [], []>, transpose_lhs_hint = false} : vector<1000x128xf32>, vector<128x64xf32>, vector<1000x64xf32> -> vector<1000x64xf32>
    %swap3A = arith.constant 0 : index
    %swap3A_6 = arith.constant 0 : index
    %swap3A_7 = vector.load %arg3[%swap3A, %swap3A_6] : memref<1000x64xf32, #tpu.memory_space<vmem>>, vector<1000x64xf32>
    tpu.vector_store %arg3[%swap3A, %swap3A_6], %dot_general3A_5 {strides = array<i32>} : memref<1000x64xf32, #tpu.memory_space<vmem>>, vector<1000x64xf32>,
    return
  }
  func.func @transform_0(%arg0: i32) -> (i32, i32) {
    %c0_i32 = arith.constant 0 : i32
    %c0_i32_0 = arith.constant 0 : i32
    return %arg0, %c0_i32 : i32, i32
  }
  func.func @transform_1(%arg0: i32) -> (i32, i32) {
    %c0_i32 = arith.constant 0 : i32
    %c0_i32_0 = arith.constant 0 : i32
    %c0_i32_1 = arith.constant 0 : i32
    return %c0_i32, %c0_i32_0 : i32, i32
  }
  func.func @transform_2(%arg0: i32) -> (i32, i32) {
    %c0_i32 = arith.constant 0 : i32
    %c0_i32_0 = arith.constant 0 : i32
    return %arg0, %c0_i32 : i32, i32
  }
}

module attributes {stable_mosaic.version = 14 : i64} {
  func.func @_bnmm_body(%arg0: i32, %arg1: memref<1000x64xf32, #tpu.memory_space<vmem>>, %arg2: memref<2x64xf32, #tpu.memory_space<vmem>>, %arg3: memref<1x64xf32, #tpu.memory_space<vmem>>, %arg4: memref<1x64xf32, #tpu.memory_space<vmem>>, %arg5: memref<64x64xf32, #tpu.memory_space<vmem>>, %arg6: memref<1000x64xf32, #tpu.memory_space<vmem>>) attributes {dimension_semantics = [#tpu.dimension_semantics<arbitrary>], iteration_bounds = array<i64: 10>, scalar_prefetch = 0 : i64, scratch_operands = 0 : i64, tpu.core_type = #tpu.core_type<tc>, window_params = [{transform_indices = @transform_0, window_bounds = array<i64: 1000, 64>}, {pipeline_mode = #tpu.pipeline_mode<synchronous>, transform_indices = @transform_1, window_bounds = array<i64: 2, 64>}, {pipeline_mode = #tpu.pipeline_mode<synchronous>, transform_indices = @transform_2, window_bounds = array<i64: 1, 64>}, {pipeline_mode = #tpu.pipeline_mode<synchronous>, transform_indices = @transform_3, window_bounds = array<i64: 1, 64>}, {pipeline_mode = #tpu.pipeline_mode<synchronous>, transform_indices = @transform_4, window_bounds = array<i64: 64, 64>}, {transform_indices = @transform_5, window_bounds = array<i64: 1000, 64>}]} {
    %get3A = arith.constant 0 : index
    %get3A_0 = arith.constant 0 : index
    %get3A_1 = vector.load %arg2[%get3A, %get3A_0] : memref<2x64xf32, #tpu.memory_space<vmem>>, vector<1x64xf32>
    %mul3A = arith.constant 9.99999974E-5 : f32
    %mul3A_2 = vector.broadcast %mul3A : f32 to vector<1x64xf32>
    %mul3A_3 = arith.mulf %get3A_1, %mul3A_2 : vector<1x64xf32>
    %get3A_4 = arith.constant 1 : index
    %get3A_5 = arith.constant 0 : index
    %get3A_6 = vector.load %arg2[%get3A_4, %get3A_5] : memref<2x64xf32, #tpu.memory_space<vmem>>, vector<1x64xf32>
    %mul3A_7 = arith.constant 9.99999974E-5 : f32
    %mul3A_8 = vector.broadcast %mul3A_7 : f32 to vector<1x64xf32>
    %mul3A_9 = arith.mulf %get3A_6, %mul3A_8 : vector<1x64xf32>
    %mul3A_10 = arith.mulf %mul3A_3, %mul3A_3 : vector<1x64xf32>
    %sub3A = arith.subf %mul3A_9, %mul3A_10 : vector<1x64xf32>
    %get3A_11 = arith.constant 0 : index
    %get3A_12 = arith.constant 0 : index
    %get3A_13 = vector.load %arg3[%get3A_11, %get3A_12] : memref<1x64xf32, #tpu.memory_space<vmem>>, vector<1x64xf32>
    %add3A = arith.constant 9.99999974E-6 : f32
    %add3A_14 = vector.broadcast %add3A : f32 to vector<1x64xf32>
    %add3A_15 = arith.addf %sub3A, %add3A_14 : vector<1x64xf32>
    %rsqrt3A = math.rsqrt %add3A_15 : vector<1x64xf32>
    %mul3A_16 = arith.mulf %get3A_13, %rsqrt3A : vector<1x64xf32>
    %get3A_17 = arith.constant 0 : index
    %get3A_18 = arith.constant 0 : index
    %get3A_19 = vector.load %arg4[%get3A_17, %get3A_18] : memref<1x64xf32, #tpu.memory_space<vmem>>, vector<1x64xf32>
    %mul3A_20 = arith.mulf %mul3A_3, %mul3A_16 : vector<1x64xf32>
    %sub3A_21 = arith.subf %get3A_19, %mul3A_20 : vector<1x64xf32>
    %get3A_22 = arith.constant 0 : index
    %get3A_23 = arith.constant 0 : index
    %get3A_24 = vector.load %arg1[%get3A_22, %get3A_23] : memref<1000x64xf32, #tpu.memory_space<vmem>>, vector<1000x64xf32>
    %mul3A_25 = vector.broadcast %mul3A_16 : vector<1x64xf32> to vector<1000x64xf32>
    %mul3A_26 = arith.mulf %get3A_24, %mul3A_25 : vector<1000x64xf32>
    %add3A_27 = vector.broadcast %sub3A_21 : vector<1x64xf32> to vector<1000x64xf32>
    %add3A_28 = arith.addf %mul3A_26, %add3A_27 : vector<1000x64xf32>
    %max3A = arith.constant 0.000000e+00 : f32
    %max3A_29 = vector.broadcast %max3A : f32 to vector<1000x64xf32>
    %max3A_30 = arith.maximumf %add3A_28, %max3A_29 : vector<1000x64xf32>
    %get3A_31 = arith.constant 0 : index
    %get3A_32 = arith.constant 0 : index
    %get3A_33 = vector.load %arg5[%get3A_31, %get3A_32] : memref<64x64xf32, #tpu.memory_space<vmem>>, vector<64x64xf32>
    %dot_general3A = arith.constant dense<0.000000e+00> : vector<1000x64xf32>
    %dot_general3A_34 = tpu.matmul %max3A_30, %get3A_33, %dot_general3A {dimension_numbers = #tpu.dot_dimension_numbers<[1], [0], [0], [1], [0, 0, 1, 1], [], []>, transpose_lhs_hint = false} : vector<1000x64xf32>, vector<64x64xf32>, vector<1000x64xf32> -> vector<1000x64xf32>
    %swap3A = arith.constant 0 : index
    %swap3A_35 = arith.constant 0 : index
    %swap3A_36 = vector.load %arg6[%swap3A, %swap3A_35] : memref<1000x64xf32, #tpu.memory_space<vmem>>, vector<1000x64xf32>
    tpu.vector_store %arg6[%swap3A, %swap3A_35], %dot_general3A_34 {strides = array<i32>} : memref<1000x64xf32, #tpu.memory_space<vmem>>, vector<1000x64xf32>,
    return
  }
  func.func @transform_0(%arg0: i32) -> (i32, i32) {
    %c0_i32 = arith.constant 0 : i32
    %c0_i32_0 = arith.constant 0 : i32
    return %arg0, %c0_i32 : i32, i32
  }
  func.func @transform_1(%arg0: i32) -> (i32, i32) {
    %c0_i32 = arith.constant 0 : i32
    %c0_i32_0 = arith.constant 0 : i32
    %c0_i32_1 = arith.constant 0 : i32
    return %c0_i32, %c0_i32_0 : i32, i32
  }
  func.func @transform_2(%arg0: i32) -> (i32, i32) {
    %c0_i32 = arith.constant 0 : i32
    %c0_i32_0 = arith.constant 0 : i32
    %c0_i32_1 = arith.constant 0 : i32
    return %c0_i32, %c0_i32_0 : i32, i32
  }
  func.func @transform_3(%arg0: i32) -> (i32, i32) {
    %c0_i32 = arith.constant 0 : i32
    %c0_i32_0 = arith.constant 0 : i32
    %c0_i32_1 = arith.constant 0 : i32
    return %c0_i32, %c0_i32_0 : i32, i32
  }
  func.func @transform_4(%arg0: i32) -> (i32, i32) {
    %c0_i32 = arith.constant 0 : i32
    %c0_i32_0 = arith.constant 0 : i32
    %c0_i32_1 = arith.constant 0 : i32
    return %c0_i32, %c0_i32_0 : i32, i32
  }
  func.func @transform_5(%arg0: i32) -> (i32, i32) {
    %c0_i32 = arith.constant 0 : i32
    %c0_i32_0 = arith.constant 0 : i32
    return %arg0, %c0_i32 : i32, i32
  }
}

module attributes {stable_mosaic.version = 14 : i64} {
  func.func @_mlp_body(%arg0: i32, %arg1: memref<1000x64xf32, #tpu.memory_space<vmem>>, %arg2: memref<2x1000x64xf32, #tpu.memory_space<vmem>>, %arg3: memref<1x64xf32, #tpu.memory_space<vmem>>, %arg4: memref<64x64xf32, #tpu.memory_space<vmem>>, %arg5: memref<1x64xf32, #tpu.memory_space<vmem>>, %arg6: memref<1000x64xf32, #tpu.memory_space<vmem>>, %arg7: memref<2x64xf32, #tpu.memory_space<vmem>>) attributes {dimension_semantics = [#tpu.dimension_semantics<arbitrary>], iteration_bounds = array<i64: 10>, scalar_prefetch = 0 : i64, scratch_operands = 0 : i64, tpu.core_type = #tpu.core_type<tc>, window_params = [{transform_indices = @transform_0, window_bounds = array<i64: 1000, 64>}, {transform_indices = @transform_1, window_bounds = array<i64: 2, 1000, 64>}, {pipeline_mode = #tpu.pipeline_mode<synchronous>, transform_indices = @transform_2, window_bounds = array<i64: 1, 64>}, {pipeline_mode = #tpu.pipeline_mode<synchronous>, transform_indices = @transform_3, window_bounds = array<i64: 64, 64>}, {pipeline_mode = #tpu.pipeline_mode<synchronous>, transform_indices = @transform_4, window_bounds = array<i64: 1, 64>}, {transform_indices = @transform_5, window_bounds = array<i64: 1000, 64>}, {pipeline_mode = #tpu.pipeline_mode<synchronous>, transform_indices = @transform_6, window_bounds = array<i64: 2, 64>}]} {
    %get3A = arith.constant 0 : index
    %get3A_0 = arith.constant 0 : index
    %get3A_1 = vector.load %arg1[%get3A, %get3A_0] : memref<1000x64xf32, #tpu.memory_space<vmem>>, vector<1000x64xf32>
    %get3A_2 = arith.constant 0 : index
    %get3A_3 = arith.constant 0 : index
    %get3A_4 = arith.constant 0 : index
    %get3A_5 = vector.load %arg2[%get3A_2, %get3A_3, %get3A_4] : memref<2x1000x64xf32, #tpu.memory_space<vmem>>, vector<1x1000x64xf32>
    %get3A_6 = vector.shape_cast %get3A_5 : vector<1x1000x64xf32> to vector<1000x64xf32>
    %add3A = arith.addf %get3A_1, %get3A_6 : vector<1000x64xf32>
    %get3A_7 = arith.constant 1 : index
    %get3A_8 = arith.constant 0 : index
    %get3A_9 = arith.constant 0 : index
    %get3A_10 = vector.load %arg2[%get3A_7, %get3A_8, %get3A_9] : memref<2x1000x64xf32, #tpu.memory_space<vmem>>, vector<1x1000x64xf32>
    %get3A_11 = vector.shape_cast %get3A_10 : vector<1x1000x64xf32> to vector<1000x64xf32>
    %add3A_12 = arith.addf %add3A, %get3A_11 : vector<1000x64xf32>
    %get3A_13 = arith.constant 0 : index
    %get3A_14 = arith.constant 0 : index
    %get3A_15 = vector.load %arg3[%get3A_13, %get3A_14] : memref<1x64xf32, #tpu.memory_space<vmem>>, vector<1x64xf32>
    %add3A_16 = vector.broadcast %get3A_15 : vector<1x64xf32> to vector<1000x64xf32>
    %add3A_17 = arith.addf %add3A_12, %add3A_16 : vector<1000x64xf32>
    %max3A = arith.constant 0.000000e+00 : f32
    %max3A_18 = vector.broadcast %max3A : f32 to vector<1000x64xf32>
    %max3A_19 = arith.maximumf %add3A_17, %max3A_18 : vector<1000x64xf32>
    %get3A_20 = arith.constant 0 : index
    %get3A_21 = arith.constant 0 : index
    %get3A_22 = vector.load %arg4[%get3A_20, %get3A_21] : memref<64x64xf32, #tpu.memory_space<vmem>>, vector<64x64xf32>
    %dot_general3A = arith.constant dense<0.000000e+00> : vector<1000x64xf32>
    %dot_general3A_23 = tpu.matmul %max3A_19, %get3A_22, %dot_general3A {dimension_numbers = #tpu.dot_dimension_numbers<[1], [0], [0], [1], [0, 0, 1, 1], [], []>, transpose_lhs_hint = false} : vector<1000x64xf32>, vector<64x64xf32>, vector<1000x64xf32> -> vector<1000x64xf32>
    %get3A_24 = arith.constant 0 : index
    %get3A_25 = arith.constant 0 : index
    %get3A_26 = vector.load %arg5[%get3A_24, %get3A_25] : memref<1x64xf32, #tpu.memory_space<vmem>>, vector<1x64xf32>
    %add3A_27 = vector.broadcast %get3A_26 : vector<1x64xf32> to vector<1000x64xf32>
    %add3A_28 = arith.addf %dot_general3A_23, %add3A_27 : vector<1000x64xf32>
    %swap3A = arith.constant 0 : index
    %swap3A_29 = arith.constant 0 : index
    %swap3A_30 = vector.load %arg6[%swap3A, %swap3A_29] : memref<1000x64xf32, #tpu.memory_space<vmem>>, vector<1000x64xf32>
    tpu.vector_store %arg6[%swap3A, %swap3A_29], %add3A_28 {strides = array<i32>} : memref<1000x64xf32, #tpu.memory_space<vmem>>, vector<1000x64xf32>,
    %reduce_sum3A = arith.constant dense<0.000000e+00> : vector<64xf32>
    %reduce_sum3A_31 = vector.multi_reduction <add>, %add3A_28, %reduce_sum3A [0] : vector<1000x64xf32> to vector<64xf32>
    %broadcast_in_dim3A = vector.shape_cast %reduce_sum3A_31 : vector<64xf32> to vector<1x64xf32>
    %mul3A = arith.mulf %add3A_28, %add3A_28 : vector<1000x64xf32>
    %reduce_sum3A_32 = arith.constant dense<0.000000e+00> : vector<64xf32>
    %reduce_sum3A_33 = vector.multi_reduction <add>, %mul3A, %reduce_sum3A_32 [0] : vector<1000x64xf32> to vector<64xf32>
    %broadcast_in_dim3A_34 = vector.shape_cast %reduce_sum3A_33 : vector<64xf32> to vector<1x64xf32>
    %concatenate3A = tpu.concatenate %broadcast_in_dim3A, %broadcast_in_dim3A_34 in 0 : vector<1x64xf32>, vector<1x64xf32> -> vector<2x64xf32>
    %eq3A = arith.constant 0 : i32
    %eq3A_35 = arith.cmpi eq, %arg0, %eq3A : i32
    %convert_element_type3A = arith.extui %eq3A_35 : i1 to i32
    %cond3A = arith.constant 0 : i32
    %cond3A_36 = arith.cmpi ne, %convert_element_type3A, %cond3A : i32
    scf.if %cond3A_36 {
      %swap3A_41 = arith.constant 0 : index
      %swap3A_42 = arith.constant 0 : index
      %swap3A_43 = vector.load %arg7[%swap3A_41, %swap3A_42] : memref<2x64xf32, #tpu.memory_space<vmem>>, vector<2x64xf32>
      tpu.vector_store %arg7[%swap3A_41, %swap3A_42], %concatenate3A {strides = array<i32>} : memref<2x64xf32, #tpu.memory_space<vmem>>, vector<2x64xf32>,
    } else {
    }
    %gt3A = arith.constant 0 : i32
    %gt3A_37 = arith.cmpi sgt, %arg0, %gt3A : i32
    %convert_element_type3A_38 = arith.extui %gt3A_37 : i1 to i32
    %cond3A_39 = arith.constant 0 : i32
    %cond3A_40 = arith.cmpi ne, %convert_element_type3A_38, %cond3A_39 : i32
    scf.if %cond3A_40 {
      %get3A_41 = arith.constant 0 : index
      %get3A_42 = arith.constant 0 : index
      %get3A_43 = vector.load %arg7[%get3A_41, %get3A_42] : memref<2x64xf32, #tpu.memory_space<vmem>>, vector<2x64xf32>
      %add3A_44 = arith.addf %get3A_43, %concatenate3A : vector<2x64xf32>
      %swap3A_45 = arith.constant 0 : index
      %swap3A_46 = arith.constant 0 : index
      %swap3A_47 = vector.load %arg7[%swap3A_45, %swap3A_46] : memref<2x64xf32, #tpu.memory_space<vmem>>, vector<2x64xf32>
      tpu.vector_store %arg7[%swap3A_45, %swap3A_46], %add3A_44 {strides = array<i32>} : memref<2x64xf32, #tpu.memory_space<vmem>>, vector<2x64xf32>,
    } else {
    }
    return
  }
  func.func @transform_0(%arg0: i32) -> (i32, i32) {
    %c0_i32 = arith.constant 0 : i32
    %c0_i32_0 = arith.constant 0 : i32
    return %arg0, %c0_i32 : i32, i32
  }
  func.func @transform_1(%arg0: i32) -> (i32, i32, i32) {
    %c0_i32 = arith.constant 0 : i32
    %c0_i32_0 = arith.constant 0 : i32
    %c0_i32_1 = arith.constant 0 : i32
    return %c0_i32, %arg0, %c0_i32_0 : i32, i32, i32
  }
  func.func @transform_2(%arg0: i32) -> (i32, i32) {
    %c0_i32 = arith.constant 0 : i32
    %c0_i32_0 = arith.constant 0 : i32
    %c0_i32_1 = arith.constant 0 : i32
    return %c0_i32, %c0_i32_0 : i32, i32
  }
  func.func @transform_3(%arg0: i32) -> (i32, i32) {
    %c0_i32 = arith.constant 0 : i32
    %c0_i32_0 = arith.constant 0 : i32
    %c0_i32_1 = arith.constant 0 : i32
    return %c0_i32, %c0_i32_0 : i32, i32
  }
  func.func @transform_4(%arg0: i32) -> (i32, i32) {
    %c0_i32 = arith.constant 0 : i32
    %c0_i32_0 = arith.constant 0 : i32
    %c0_i32_1 = arith.constant 0 : i32
    return %c0_i32, %c0_i32_0 : i32, i32
  }
  func.func @transform_5(%arg0: i32) -> (i32, i32) {
    %c0_i32 = arith.constant 0 : i32
    %c0_i32_0 = arith.constant 0 : i32
    return %arg0, %c0_i32 : i32, i32
  }
  func.func @transform_6(%arg0: i32) -> (i32, i32) {
    %c0_i32 = arith.constant 0 : i32
    %c0_i32_0 = arith.constant 0 : i32
    %c0_i32_1 = arith.constant 0 : i32
    return %c0_i32, %c0_i32_0 : i32, i32
  }
}

module attributes {stable_mosaic.version = 14 : i64} {
  func.func @_pool_body(%arg0: i32, %arg1: memref<1000x64xf32, #tpu.memory_space<vmem>>, %arg2: memref<2x64xf32, #tpu.memory_space<vmem>>, %arg3: memref<1x64xf32, #tpu.memory_space<vmem>>, %arg4: memref<1x64xf32, #tpu.memory_space<vmem>>, %arg5: memref<1x1x1000xi32, #tpu.memory_space<vmem>>, %arg6: memref<64x64xf32, #tpu.memory_space<vmem>>, %arg7: memref<64x64xf32, #tpu.memory_space<vmem>>, %arg8: memref<64x1xf32, #tpu.memory_space<vmem>>) attributes {dimension_semantics = [#tpu.dimension_semantics<arbitrary>], iteration_bounds = array<i64: 10>, scalar_prefetch = 0 : i64, scratch_operands = 2 : i64, tpu.core_type = #tpu.core_type<tc>, window_params = [{transform_indices = @transform_0, window_bounds = array<i64: 1000, 64>}, {pipeline_mode = #tpu.pipeline_mode<synchronous>, transform_indices = @transform_1, window_bounds = array<i64: 2, 64>}, {pipeline_mode = #tpu.pipeline_mode<synchronous>, transform_indices = @transform_2, window_bounds = array<i64: 1, 64>}, {pipeline_mode = #tpu.pipeline_mode<synchronous>, transform_indices = @transform_3, window_bounds = array<i64: 1, 64>}, {transform_indices = @transform_4, window_bounds = array<i64: 1, 1, 1000>}, {pipeline_mode = #tpu.pipeline_mode<synchronous>, transform_indices = @transform_5, window_bounds = array<i64: 64, 64>}]} {
    %get3A = arith.constant 0 : index
    %get3A_0 = arith.constant 0 : index
    %get3A_1 = vector.load %arg2[%get3A, %get3A_0] : memref<2x64xf32, #tpu.memory_space<vmem>>, vector<1x64xf32>
    %mul3A = arith.constant 9.99999974E-5 : f32
    %mul3A_2 = vector.broadcast %mul3A : f32 to vector<1x64xf32>
    %mul3A_3 = arith.mulf %get3A_1, %mul3A_2 : vector<1x64xf32>
    %get3A_4 = arith.constant 1 : index
    %get3A_5 = arith.constant 0 : index
    %get3A_6 = vector.load %arg2[%get3A_4, %get3A_5] : memref<2x64xf32, #tpu.memory_space<vmem>>, vector<1x64xf32>
    %mul3A_7 = arith.constant 9.99999974E-5 : f32
    %mul3A_8 = vector.broadcast %mul3A_7 : f32 to vector<1x64xf32>
    %mul3A_9 = arith.mulf %get3A_6, %mul3A_8 : vector<1x64xf32>
    %mul3A_10 = arith.mulf %mul3A_3, %mul3A_3 : vector<1x64xf32>
    %sub3A = arith.subf %mul3A_9, %mul3A_10 : vector<1x64xf32>
    %get3A_11 = arith.constant 0 : index
    %get3A_12 = arith.constant 0 : index
    %get3A_13 = vector.load %arg3[%get3A_11, %get3A_12] : memref<1x64xf32, #tpu.memory_space<vmem>>, vector<1x64xf32>
    %add3A = arith.constant 9.99999974E-6 : f32
    %add3A_14 = vector.broadcast %add3A : f32 to vector<1x64xf32>
    %add3A_15 = arith.addf %sub3A, %add3A_14 : vector<1x64xf32>
    %rsqrt3A = math.rsqrt %add3A_15 : vector<1x64xf32>
    %mul3A_16 = arith.mulf %get3A_13, %rsqrt3A : vector<1x64xf32>
    %get3A_17 = arith.constant 0 : index
    %get3A_18 = arith.constant 0 : index
    %get3A_19 = vector.load %arg4[%get3A_17, %get3A_18] : memref<1x64xf32, #tpu.memory_space<vmem>>, vector<1x64xf32>
    %mul3A_20 = arith.mulf %mul3A_3, %mul3A_16 : vector<1x64xf32>
    %sub3A_21 = arith.subf %get3A_19, %mul3A_20 : vector<1x64xf32>
    %get3A_22 = arith.constant 0 : index
    %get3A_23 = arith.constant 0 : index
    %get3A_24 = vector.load %arg1[%get3A_22, %get3A_23] : memref<1000x64xf32, #tpu.memory_space<vmem>>, vector<1000x64xf32>
    %mul3A_25 = vector.broadcast %mul3A_16 : vector<1x64xf32> to vector<1000x64xf32>
    %mul3A_26 = arith.mulf %get3A_24, %mul3A_25 : vector<1000x64xf32>
    %add3A_27 = vector.broadcast %sub3A_21 : vector<1x64xf32> to vector<1000x64xf32>
    %add3A_28 = arith.addf %mul3A_26, %add3A_27 : vector<1000x64xf32>
    %max3A = arith.constant 0.000000e+00 : f32
    %max3A_29 = vector.broadcast %max3A : f32 to vector<1000x64xf32>
    %max3A_30 = arith.maximumf %add3A_28, %max3A_29 : vector<1000x64xf32>
    %get3A_31 = arith.constant 0 : index
    %get3A_32 = arith.constant 0 : index
    %get3A_33 = arith.constant 0 : index
    %get3A_34 = vector.load %arg5[%get3A_31, %get3A_32, %get3A_33] : memref<1x1x1000xi32, #tpu.memory_space<vmem>>, vector<1x1x1000xi32>
    %get3A_35 = vector.shape_cast %get3A_34 : vector<1x1x1000xi32> to vector<1x1000xi32>
    %iota3A = tpu.iota {dimensions = array<i32: 0>} : vector<64x1000xi32>
    %eq3A = vector.broadcast %get3A_35 : vector<1x1000xi32> to vector<64x1000xi32>
    %eq3A_36 = arith.cmpi eq, %eq3A, %iota3A : vector<64x1000xi32>
    %convert_element_type3A = arith.extui %eq3A_36 : vector<64x1000xi1> to vector<64x1000xi32>
    %convert_element_type3A_37 = arith.sitofp %convert_element_type3A : vector<64x1000xi32> to vector<64x1000xf32>
    %dot_general3A = arith.constant dense<0.000000e+00> : vector<64x64xf32>
    %dot_general3A_38 = tpu.matmul %convert_element_type3A_37, %max3A_30, %dot_general3A {dimension_numbers = #tpu.dot_dimension_numbers<[1], [0], [0], [1], [0, 0, 1, 1], [], []>, transpose_lhs_hint = false} : vector<64x1000xf32>, vector<1000x64xf32>, vector<64x64xf32> -> vector<64x64xf32>
    %reduce_sum3A = arith.constant dense<0.000000e+00> : vector<64xf32>
    %reduce_sum3A_39 = vector.multi_reduction <add>, %convert_element_type3A_37, %reduce_sum3A [1] : vector<64x1000xf32> to vector<64xf32>
    %broadcast_in_dim3A = vector.shape_cast %reduce_sum3A_39 : vector<64xf32> to vector<64x1xf32>
    %eq3A_40 = arith.constant 0 : i32
    %eq3A_41 = arith.cmpi eq, %arg0, %eq3A_40 : i32
    %convert_element_type3A_42 = arith.extui %eq3A_41 : i1 to i32
    %cond3A = arith.constant 0 : i32
    %cond3A_43 = arith.cmpi ne, %convert_element_type3A_42, %cond3A : i32
    scf.if %cond3A_43 {
      %swap3A = arith.constant 0 : index
      %swap3A_53 = arith.constant 0 : index
      %swap3A_54 = vector.load %arg7[%swap3A, %swap3A_53] : memref<64x64xf32, #tpu.memory_space<vmem>>, vector<64x64xf32>
      tpu.vector_store %arg7[%swap3A, %swap3A_53], %dot_general3A_38 {strides = array<i32>} : memref<64x64xf32, #tpu.memory_space<vmem>>, vector<64x64xf32>,
      %swap3A_55 = arith.constant 0 : index
      %swap3A_56 = arith.constant 0 : index
      %swap3A_57 = vector.load %arg8[%swap3A_55, %swap3A_56] : memref<64x1xf32, #tpu.memory_space<vmem>>, vector<64x1xf32>
      tpu.vector_store %arg8[%swap3A_55, %swap3A_56], %broadcast_in_dim3A {strides = array<i32>} : memref<64x1xf32, #tpu.memory_space<vmem>>, vector<64x1xf32>,
    } else {
    }
    %gt3A = arith.constant 0 : i32
    %gt3A_44 = arith.cmpi sgt, %arg0, %gt3A : i32
    %convert_element_type3A_45 = arith.extui %gt3A_44 : i1 to i32
    %cond3A_46 = arith.constant 0 : i32
    %cond3A_47 = arith.cmpi ne, %convert_element_type3A_45, %cond3A_46 : i32
    scf.if %cond3A_47 {
      %get3A_53 = arith.constant 0 : index
      %get3A_54 = arith.constant 0 : index
      %get3A_55 = vector.load %arg7[%get3A_53, %get3A_54] : memref<64x64xf32, #tpu.memory_space<vmem>>, vector<64x64xf32>
      %add3A_56 = arith.addf %get3A_55, %dot_general3A_38 : vector<64x64xf32>
      %swap3A = arith.constant 0 : index
      %swap3A_57 = arith.constant 0 : index
      %swap3A_58 = vector.load %arg7[%swap3A, %swap3A_57] : memref<64x64xf32, #tpu.memory_space<vmem>>, vector<64x64xf32>
      tpu.vector_store %arg7[%swap3A, %swap3A_57], %add3A_56 {strides = array<i32>} : memref<64x64xf32, #tpu.memory_space<vmem>>, vector<64x64xf32>,
      %get3A_59 = arith.constant 0 : index
      %get3A_60 = arith.constant 0 : index
      %get3A_61 = vector.load %arg8[%get3A_59, %get3A_60] : memref<64x1xf32, #tpu.memory_space<vmem>>, vector<64x1xf32>
      %add3A_62 = arith.addf %get3A_61, %broadcast_in_dim3A : vector<64x1xf32>
      %swap3A_63 = arith.constant 0 : index
      %swap3A_64 = arith.constant 0 : index
      %swap3A_65 = vector.load %arg8[%swap3A_63, %swap3A_64] : memref<64x1xf32, #tpu.memory_space<vmem>>, vector<64x1xf32>
      tpu.vector_store %arg8[%swap3A_63, %swap3A_64], %add3A_62 {strides = array<i32>} : memref<64x1xf32, #tpu.memory_space<vmem>>, vector<64x1xf32>,
    } else {
    }
    %eq3A_48 = arith.constant 9 : i32
    %eq3A_49 = arith.cmpi eq, %arg0, %eq3A_48 : i32
    %convert_element_type3A_50 = arith.extui %eq3A_49 : i1 to i32
    %cond3A_51 = arith.constant 0 : i32
    %cond3A_52 = arith.cmpi ne, %convert_element_type3A_50, %cond3A_51 : i32
    scf.if %cond3A_52 {
      %get3A_53 = arith.constant 0 : index
      %get3A_54 = arith.constant 0 : index
      %get3A_55 = vector.load %arg7[%get3A_53, %get3A_54] : memref<64x64xf32, #tpu.memory_space<vmem>>, vector<64x64xf32>
      %get3A_56 = arith.constant 0 : index
      %get3A_57 = arith.constant 0 : index
      %get3A_58 = vector.load %arg8[%get3A_56, %get3A_57] : memref<64x1xf32, #tpu.memory_space<vmem>>, vector<64x1xf32>
      %max3A_59 = arith.constant 1.000000e+00 : f32
      %max3A_60 = vector.broadcast %max3A_59 : f32 to vector<64x1xf32>
      %max3A_61 = arith.maximumf %get3A_58, %max3A_60 : vector<64x1xf32>
      %div3A = vector.broadcast %max3A_61 : vector<64x1xf32> to vector<64x64xf32>
      %div3A_62 = arith.divf %get3A_55, %div3A : vector<64x64xf32>
      %swap3A = arith.constant 0 : index
      %swap3A_63 = arith.constant 0 : index
      %swap3A_64 = vector.load %arg6[%swap3A, %swap3A_63] : memref<64x64xf32, #tpu.memory_space<vmem>>, vector<64x64xf32>
      tpu.vector_store %arg6[%swap3A, %swap3A_63], %div3A_62 {strides = array<i32>} : memref<64x64xf32, #tpu.memory_space<vmem>>, vector<64x64xf32>,
    } else {
    }
    return
  }
  func.func @transform_0(%arg0: i32) -> (i32, i32) {
    %c0_i32 = arith.constant 0 : i32
    %c0_i32_0 = arith.constant 0 : i32
    return %arg0, %c0_i32 : i32, i32
  }
  func.func @transform_1(%arg0: i32) -> (i32, i32) {
    %c0_i32 = arith.constant 0 : i32
    %c0_i32_0 = arith.constant 0 : i32
    %c0_i32_1 = arith.constant 0 : i32
    return %c0_i32, %c0_i32_0 : i32, i32
  }
  func.func @transform_2(%arg0: i32) -> (i32, i32) {
    %c0_i32 = arith.constant 0 : i32
    %c0_i32_0 = arith.constant 0 : i32
    %c0_i32_1 = arith.constant 0 : i32
    return %c0_i32, %c0_i32_0 : i32, i32
  }
  func.func @transform_3(%arg0: i32) -> (i32, i32) {
    %c0_i32 = arith.constant 0 : i32
    %c0_i32_0 = arith.constant 0 : i32
    %c0_i32_1 = arith.constant 0 : i32
    return %c0_i32, %c0_i32_0 : i32, i32
  }
  func.func @transform_4(%arg0: i32) -> (i32, i32, i32) {
    %c0_i32 = arith.constant 0 : i32
    %c0_i32_0 = arith.constant 0 : i32
    %c0_i32_1 = arith.constant 0 : i32
    return %arg0, %c0_i32, %c0_i32_0 : i32, i32, i32
  }
  func.func @transform_5(%arg0: i32) -> (i32, i32) {
    %c0_i32 = arith.constant 0 : i32
    %c0_i32_0 = arith.constant 0 : i32
    %c0_i32_1 = arith.constant 0 : i32
    return %c0_i32, %c0_i32_0 : i32, i32
  }
}

</mosaic_0001>

<sc_bundles>
// kernel: kernel.12.cloned.1.call-start
scs
__scs_entry_jumppad:
0x0: {  	(pc) =	sbr.rel $0x88, $3  }
0x1: {  	(tag) =	ssettag $0x0;
	lr =	simm.s32 $0x1  }
0x2: {  	[smem:$0x3F92] =	sst lr;
	_ =	strace $0xD0000000  }
0x3: {  	_ = 	snop  }
0x4: {  	_ = 	snop  }
0x5: {  	_ = 	snop  }
0x6: {  	_ = 	snop  }
0x7: {  	_ = 	snop  }
__scs_overlays_trampoline_lowered:
0x8: {  	[smem:$0x3FA1] =	sst s0  }
0x9: {  	[smem:$0x3FA2] =	sst s1  }
0xa: {  	[smem:$0x3FA3] =	sst s2  }
0xb: {  	[smem:$0x3FA4] =	sst s3  }
0xc: {  	[smem:$0x3FA5] =	sst s4  }
0xd: {  	[smem:$0x3FA6] =	sst s5  }
0xe: {  	[smem:$0x3FA7] =	sst s6  }
0xf: {  	[smem:$0x3FA8] =	sst s7  }
0x10: {  	[smem:$0x3FA9] =	sst s8  }
0x11: {  	[smem:$0x3FAA] =	sst s9;
	s0 =	simm.s32 @!p0 $0x0  }
0x12: {  	s1 =	sld [smem:$0x3F90];
	s0 =	simm.s32 @p0 $0x1  }
0x13: {  	[smem:$0x3FAB] =	sst s0;
	s0 =	simm.s32 @!p1 $0x0  }
0x14: {  	s2 =	sld [smem:$0x3F8F];
	s0 =	simm.s32 @p1 $0x1  }
0x15: {  	[smem:$0x3FAC] =	sst s0;
	s0 =	simm.s32 @!p2 $0x0  }
0x16: {  	s3 =	sld [smem:$0x3FDB];
	s0 =	simm.s32 @p2 $0x1  }
0x17: {  	s4 =	simm.s32 $0x1BF5;
	[smem:$0x3FAE] =	sst s0  }
0x18: {  	s0 =	sld [smem:$0x3F91];
	_ =	swait.ge [sflag:s4], $0x0  }
0x19: {  	s7 =	sld [smem:$0x3F92]  }
0x1a: {  	s8 =	sadd.s32 $0xFFFFE003, lr  }
0x1b: {  	s9 =	sadd.s32 $0xFFFFFEF7, lr;
	s5 =	simm.s32 $0xFFFFFFFF;
	p2 =	slt.u32 s8, $0xFFFFF086  }
0x1c: {  	p1 =	slt.u32 s9, $0xF7A;
	s5 =	simm.s32 @!p2 $0x0  }
0x1d: {  	s5 =	simm.s32 @p1 $0x1;
	p0 =	seq.s32 s7, s2  }
0x1e: {  	s7 =	smul.u32 @!p0 $0xF7A, s2;
	p2 =	seq.s32 @!p0 s5, $0x0  }
0x1f: {  	s9 =	smul.u32 $0xF7A, s1;
	s8 =	simm.s32 @!p0 $0x1BF5;
	p2 =	por !p2, p0  }
0x20: {  	[sflag:s8] =	ssyncset.s32 @!p0 $0xFFFFF086;
	s6 =	sadd.s32 @!p0 s3, s7;
	s7 =	simm.s32 @!p0 $0x108  }
0x21: {  	s3 =	sadd.s32 s3, s9;
	s6 =	sadd.s32 @!p0 $0x88, s6;
	s7 =	simm.s32 @p2 $0x1082  }
0x22: {  	[simem:s7], [sflag:s8] =	dma.local @!p0 [hbm:s6], $0xF7A  }
0x23: {  	s9 =	sor.u32 $0xD0000000, s2;
	s6 =	simm.s32 $0x108;
	_ =	swait.ge @!p0 [sflag:s8], $0x0  }
0x24: {  	s3 =	sadd.s32 $0x88, s3;
	s6 =	simm.s32 @!p1 $0x1082;
	[sflag:s4] =	ssyncset.s32 $0xFFFFF086  }
0x25: {  	[simem:s6], [sflag:s4] =	dma.local [hbm:s3], $0xF7A  }
0x26: {  	[smem:$0x3F92] =	sst s1;
	(tag) =	ssettag s2;
	_ =	strace s9  }
0x27: {  	s1 =	sld [smem:$0x3FA2]  }
0x28: {  	s2 =	sld [smem:$0x3FA3]  }
0x29: {  	s4 =	sld [smem:$0x3FA5]  }
0x2a: {  	p0 =	seq.s32 s5, $0x0;
	s5 =	sld [smem:$0x3FA6]  }
0x2b: {  	s6 =	sld [smem:$0x3FA7]  }
0x2c: {  	s7 =	sld [smem:$0x3FA8]  }
0x2d: {  	s3 =	simm.s32 $0x108;
	s8 =	sld [smem:$0x3FA9]  }
0x2e: {  	s3 =	simm.s32 @!p0 $0x1082;
	s9 =	sld [smem:$0x3FAA]  }
0x2f: {  	lr =	sadd.s32 s0, s3;
	s0 =	sld [smem:$0x3FA1]  }
0x30: {  	s3 =	sld [smem:$0x3FA4]  }
0x31: {  	[smem:$0x3FAD] =	sst s10  }
0x32: {  	s10 =	sld [smem:$0x3FAB];
	_ =	sdelay $0x3  }
0x33: {  	p0 =	seq.s32 s10, $0x1;
	s10 =	sld [smem:$0x3FAD];
	_ =	sdelay $0x3  }
0x34: {  	[smem:$0x3FAD] =	sst s10  }
0x35: {  	s10 =	sld [smem:$0x3FAC];
	_ =	sdelay $0x3  }
0x36: {  	p1 =	seq.s32 s10, $0x1;
	s10 =	sld [smem:$0x3FAD];
	_ =	sdelay $0x3  }
0x37: {  	[smem:$0x3FAD] =	sst s10  }
0x38: {  	s10 =	sld [smem:$0x3FAE]  }
0x39: {  	_ = 	snop;
	(pc) =	sbr.ind lr, $3  }
0x3a: {  	_ = 	snop  }
0x3b: {  	_ = 	snop  }
0x3c: {  	p2 =	seq.s32 s10, $0x1;
	s10 =	sld [smem:$0x3FAD]  }
0x3d: {  	_ =	shalt  }
0x3e: {  	_ =	shalt  }
0x3f: {  	_ =	shalt  }
0x40: {  	_ =	shalt  }
0x41: {  	_ =	shalt  }
0x42: {  	_ =	shalt  }
0x43: {  	_ =	shalt  }
0x44: {  	_ =	shalt  }
0x45: {  	_ =	shalt  }
0x46: {  	_ =	shalt  }
0x47: {  	_ =	shalt  }
0x48: {  	_ =	shalt  }
0x49: {  	_ =	shalt  }
0x4a: {  	_ =	shalt  }
0x4b: {  	_ =	shalt  }
0x4c: {  	_ =	shalt  }
0x4d: {  	_ =	shalt  }
0x4e: {  	_ =	shalt  }
0x4f: {  	_ =	shalt  }
0x50: {  	_ =	shalt  }
0x51: {  	_ =	shalt  }
0x52: {  	_ =	shalt  }
0x53: {  	_ =	shalt  }
0x54: {  	_ =	shalt  }
0x55: {  	_ =	shalt  }
0x56: {  	_ =	shalt  }
0x57: {  	_ =	shalt  }
0x58: {  	_ =	shalt  }
0x59: {  	_ =	shalt  }
0x5a: {  	_ =	shalt  }
0x5b: {  	_ =	shalt  }
0x5c: {  	_ =	shalt  }
0x5d: {  	_ =	shalt  }
0x5e: {  	_ =	shalt  }
0x5f: {  	_ =	shalt  }
0x60: {  	_ =	shalt  }
0x61: {  	_ =	shalt  }
0x62: {  	_ =	shalt  }
0x63: {  	_ =	shalt  }
0x64: {  	_ =	shalt  }
0x65: {  	_ =	shalt  }
0x66: {  	_ =	shalt  }
0x67: {  	_ =	shalt  }
0x68: {  	_ =	shalt  }
0x69: {  	_ =	shalt  }
0x6a: {  	_ =	shalt  }
0x6b: {  	_ =	shalt  }
0x6c: {  	_ =	shalt  }
0x6d: {  	_ =	shalt  }
0x6e: {  	_ =	shalt  }
0x6f: {  	_ =	shalt  }
0x70: {  	_ =	shalt  }
0x71: {  	_ =	shalt  }
0x72: {  	_ =	shalt  }
0x73: {  	_ =	shalt  }
0x74: {  	_ =	shalt  }
0x75: {  	_ =	shalt  }
0x76: {  	_ =	shalt  }
0x77: {  	_ =	shalt  }
0x78: {  	_ =	shalt  }
0x79: {  	_ =	shalt  }
0x7a: {  	_ =	shalt  }
0x7b: {  	_ =	shalt  }
0x7c: {  	_ =	shalt  }
0x7d: {  	_ =	shalt  }
0x7e: {  	_ =	shalt  }
0x7f: {  	_ =	shalt  }
0x80: {  	_ =	shalt  }
0x81: {  	_ =	shalt  }
0x82: {  	_ =	shalt  }
0x83: {  	_ =	shalt  }
0x84: {  	_ =	shalt  }
0x85: {  	_ =	shalt  }
0x86: {  	_ =	shalt  }
0x87: {  	_ =	shalt  }
.Lfunc_end0:
.L_simem_size_0:
called_computation.1_lowered:
.L_overlay_start_0:
0x88: {  	s2 =	sld [smem:$0x3FD9]  }
0x89: {  	s3 =	sld [smem:$0x3FFE];
	_ =	sdelay $0x1  }
0x8a: {  	s1 =	srdreg.scid  }
0x8b: {  	s0 =	sand.u32 $0x1, s1  }
0x8c: {  	s16 =	sshll.u32 s0, $0xA;
	s2 =	sadd.s32 s3, s2  }
0x8d: {  	s2 =	sadd.s32 s2, s16  }
0x8e: {  	[smem:$0x3FB9] =	sst s2  }
0x8f: {  	_ = 	snop  }
0x90: {  	(tm) =	ssettm $0x1  }
0x91: {  	s17 =	sld [smem:$0x3FFB];
	_ =	sdelay $0x3  }
0x92: {  	_ =	strace s17  }
0x93: {  	s2 =	sld [smem:$0x3FFC];
	_ =	sdelay $0x3  }
0x94: {  	_ =	strace s2  }
0x95: {  	s2 =	sld [smem:$0x3FFD];
	_ =	sdelay $0x3  }
0x96: {  	_ =	strace s2  }
0x97: {  	_ =	strace $0x8FFFFFFF  }
0x98: {  	s18 =	sld [smem:$0x3FDB];
	_ =	sdelay $0x1  }
0x99: {  	s19 =	simm.s32 $_scs_section_size  }
0x9a: {  	s4 =	simm.s32 $_size__tile_overlayer_lowered;
	s5 =	simm.s32 $_tile_overlayer_lowered  }
0x9b: {  	s22 =	simm.s32 $0x1BFF;
	s21 =	sshll.u32 s5, $0x1;
	s2 =	sadd.s32 s19, s18  }
0x9c: {  	s6 =	simm.s32 $0x0;
	s20 =	sshll.u32 s4, $0x1;
	s4 =	sadd.s32 s21, s2  }
0x9d: {  	[timem:s6], [sflag:s22] =	dma.local [hbm:s4], s20  }
0x9e: {  	_ =	swait.ge [sflag:s22], s20  }
0x9f: {  	s3 =	ssub.s32 $0x0, s20;
	[sflag:s22] =	ssyncset.done $0x0  }
0xa0: {  	[sflag:s22] =	ssyncadd.s32 s3;
	_ =	sdelay $0x1  }
0xa1: {  	s23 =	simm.s32 $0x1B8B  }
0xa2: {  	_ =	swait.ge [sflag:s23], $0x1  }
0xa3: {  	[sflag:s23] =	ssyncset.done $0x0  }
0xa4: {  	s25 =	simm.s32 $0x1B8E;
	s24 =	sld [smem:$0x3FFE];
	[sflag:s23] =	ssyncadd.s32 $0xFFFFFFFF  }
0xa5: {  	s26 =	simm.s32 $execute0_lowered;
	[smem:$0x3FD2] =	sst s25  }
0xa6: {  	s4 =	sshll.u32 s26, $0x1;
	_ =	strace $0x80000049;
	[dreg:$0x1] =	wrdreg $0xFFFFFFFF  }
0xa7: {  	s28 =	simm.s32 $_size_execute0_lowered;
	s2 =	sadd.s32 s2, s4;
	[dreg:$0x0] =	wrdreg $0x0  }
0xa8: {  	s4 =	sshll.u32 s28, $0x1;
	[dreg:$0x2] =	wrdreg s2  }
0xa9: {  	[dreg:$0x3] =	wrdreg s4  }
0xaa: {  	[dreg:$0x4] =	wrdreg $0xC0  }
0xab: {  	_ =	task [dreg:s6], $0x5FFFF  }
0xac: {  	[dreg:$0x1] =	wrdreg $0xFFFFFFFF  }
0xad: {  	[dreg:$0x0] =	wrdreg $0x60  }
0xae: {  	[dreg:$0x2] =	wrdreg s24  }
0xaf: {  	[dreg:$0x3] =	wrdreg $0xD0000  }
0xb0: {  	[dreg:$0x4] =	wrdreg $0x9  }
0xb1: {  	_ =	task.clear_ibuf [dreg:s6], $0x5FFFF;
	_ =	strace $0x90000049  }
0xb2: {  	s29 =	simm.s32 $0x9;
	_ =	strace $0x8000004B  }
0xb3: {  	_ =	swait.ge [sflag:s29], $0x1  }
0xb4: {  	[sflag:s29] =	ssyncadd.s32 $0xFFFFFFFF  }
0xb5: {  	_ =	strace $0x9000004B  }
0xb6: {  	_ =	sfence  }
0xb7: {  	s30 =	sld [smem:$0x0];
	_ =	sdelay $0x2  }
0xb8: {  	s31 =	sshll.u32 s1, $0xD;
	s1 =	sshrl.u32 s1, $0x2  }
0xb9: {  	s3 =	sand.u32 $0x4000, s31;
	s1 =	sadd.s32 s1, s30  }
0xba: {  	s0 =	sor.u32 s3, s0;
	s1 =	sshll.u32 s1, $0x11  }
0xbb: {  	s0 =	sor.u32 s1, s0  }
0xbc: {  	s0 =	sadd.s32 $0x8F2B, s0  }
0xbd: {  	[sflag:s0] =	ssyncadd.remote.s32 $0x1  }
0xbe: {  	_ =	sfence.sel $0xFFFF  }
0xbf: {  	[dreg:$0x0] =	wrdreg $0xFFFFFFFF;
	(pc) =	sbr.abs _section_cstart, $3  }
0xc0: {  	[dreg:$0x1] =	wrdreg $0xFFFFFFFF  }
0xc1: {  	_ =	task.clear_ibuf [dreg:s6], $0x2FFFF;
	_ =	strace $0x9FFFFFFF  }
0xc2: {  	(tm) =	ssettm $0x7FFFFFFF  }
0xc3: {  	_ =	shalt  }
tec
execute0_lowered:
.L_overlay_start_1:
0x0: {  	(tag) =	ssettag $0x1  }
0x1: {  	s0 =	srdreg.scid  }
0x2: {  	s11 =	stileid.u32;
	s6 =	rddreg [dreg:$0x0]  }
0x3: {  	s2 =	rddreg [dreg:$0x1];
	s3 =	simm.s32 $0x0;
	s12 =	simm.s32 $0x9  }
0x4: {  	s13 =	simm.s32 $0x2800;
	s14 =	simm.s32 $0x80;
	s15 =	simm.s32 $0x5000  }
0x5: {  	s16 =	simm.s32 $0x7000;
	s18 =	simm.s32 $0x9000;
	s19 =	simm.s32 $0x1  }
0x6: {  	s21 =	simm.s32 $0xB000;
	s22 =	simm.s32 $0x2;
	s24 =	simm.s32 $0x5  }
0x7: {  	s29 =	simm.s32 $0x6;
	s31 =	simm.s32 $0x4;
	s17 =	simm.s32 $0x8  }
0x8: {  	s30 =	simm.s32 $0x4F00;
	s20 =	simm.s32 $0x0;
	s0 =	sand.u32 $0x1, s0  }
0x9: {  	s1 =	sshll.u32 s11, $0x1;
	s7 =	smul.u32 $0xA000, s11;
	[smem:$0x7FF] =	sst s3  }
0xa: {  	s4 =	sadd.s32 $0x1E00, s6;
	s26 =	sshll.u32 s11, $0x6;
	s1 =	sor.u32 s0, s1  }
0xb: {  	s5 =	smul.u32 $0xA0000, s0;
	_ =	strace $0x8000004A;
	s0 =	ssub.s32 $0x2, s0  }
0xc: {  	s1 =	smul.u32 $0x500, s1;
	s9 =	sshrl.u32 s0, $0x1;
	s28 =	sadd.s32 s7, s2  }
0xd: {  	s8 =	sadd.s32 s7, s5;
	s5 =	sadd.s32 $0x29800, s6;
	s0 =	ssub.s32 s0, s9  }
0xe: {  	s11 =	sshrl.u32 s28, $0x3;
	s1 =	sadd.s32 s1, s6;
	s8 =	sshrl.u32 s8, $0x3  }
0xf: {  	s10 =	sadd.s32 s8, s6;
	s6 =	sor.u32 $0x1C09, s26;
	s7 =	sadd.s32 $0x1F800, s1  }
0x10: {  	s8 =	sadd.s32 $0x15800, s1;
	s26 =	simm.s32 $0x3;
	s1 =	simm.s32 $0x4F80  }
0x11: {  	s9 =	sadd.s32 $0x2AC00, s10;
	s10 =	smax.u32 s0, $0x1;
	s0 =	simm.s32 $0x7  }
.LBB2_1:
0x12: {  	[spmem:s11], [sflag:s6] =	dma.local [hbm:s5], $0x1400  }
0x13: {  	_ =	swait.ge [sflag:s12], $0x1400  }
0x14: {  	[sflag:s12] =	ssyncset.done $0x0  }
0x15: {  	[sflag:s12] =	ssyncadd.s32 $0xFFFFEC00  }
0x16: {  	[tilespmem:s3], [sflag:$0x9] =	stream.linear.gather [hbm4b:s7+s3], $0x2800, $0x38;
	[tilespmem:$0x17000] =	vst v63  }
0x17: {  	_ =	swait.ge [sflag:s12], $0x2800  }
0x18: {  	[sflag:s12] =	ssyncset.done $0x0  }
0x19: {  	[sflag:s12] =	ssyncadd.s32 $0xFFFFD800  }
0x1a: {  	[tilespmem:s13], [sflag:$0x9] =	stream.linear.gather [hbm4b:s8+s3], $0x2800, $0x38;
	[tilespmem:$0x17000] =	vst v63  }
0x1b: {  	_ =	swait.ge [sflag:s12], $0x2800  }
0x1c: {  	[sflag:s12] =	ssyncset.done $0x0  }
0x1d: {  	[sflag:s12] =	ssyncadd.s32 $0xFFFFD800  }
0x1e: {  	[bflag:$0x0] =	sbarrier.arrive $0xFFFF  }
0x1f: {  	[tilespmem:s15], [sflag:$0x1] =	stream.indirect.gather [hbm4b:s4+s14], $0x40, s3, s14, $0xb8;
	[tilespmem:$0x17000] =	vst v63  }
0x20: {  	_ = 	snop  }
0x21: {  	[tilespmem:s16], [sflag:$0x2] =	stream.indirect.gather [hbm4b:s4+s14], $0x40, s14, s14, $0xb8;
	[tilespmem:$0x17000] =	vst v63  }
0x22: {  	s23 =	simm.s32 $0x100  }
0x23: {  	[tilespmem:s18], [sflag:$0x3] =	stream.indirect.gather [hbm4b:s4+s14], $0x40, s23, s14, $0xb8;
	[tilespmem:$0x17000] =	vst v63  }
0x24: {  	_ =	swait.ge [sflag:s19], $0x2000  }
0x25: {  	[sflag:s19] =	ssyncset.done $0x0  }
0x26: {  	[sflag:s19] =	ssyncadd.s32 $0xFFFFE000  }
0x27: {  	[spmem:s2] =	stream.indirect.scatter.add.f32 [tilespmem:s15], [sflag:$0x5], $0x40, s13, s14, $0xb8;
	[tilespmem:$0x17000] =	vst v63  }
0x28: {  	s28 =	simm.s32 $0x180  }
0x29: {  	[tilespmem:s21], [sflag:$0x4] =	stream.indirect.gather [hbm4b:s4+s14], $0x40, s28, s14, $0xb8;
	[tilespmem:$0x17000] =	vst v63  }
0x2a: {  	_ =	swait.ge [sflag:s22], $0x2000  }
0x2b: {  	[sflag:s22] =	ssyncset.done $0x0  }
0x2c: {  	s25 =	simm.s32 $0x2880;
	[sflag:s22] =	ssyncadd.s32 $0xFFFFE000  }
0x2d: {  	[spmem:s2] =	stream.indirect.scatter.add.f32 [tilespmem:s16], [sflag:$0x6], $0x40, s25, s14, $0xb8;
	[tilespmem:$0x17000] =	vst v63  }
0x2e: {  	_ =	swait.ge [sflag:s24], $0x2000  }
0x2f: {  	[sflag:s24] =	ssyncset.done $0x0  }
0x30: {  	s28 =	simm.s32 $0x200;
	[sflag:s24] =	ssyncadd.s32 $0xFFFFE000  }
0x31: {  	[tilespmem:s15], [sflag:$0x1] =	stream.indirect.gather [hbm4b:s4+s14], $0x40, s28, s14, $0xb8;
	[tilespmem:$0x17000] =	vst v63  }
0x32: {  	_ =	swait.ge [sflag:s26], $0x2000  }
0x33: {  	[sflag:s26] =	ssyncset.done $0x0  }
0x34: {  	s25 =	simm.s32 $0x2900;
	[sflag:s26] =	ssyncadd.s32 $0xFFFFE000  }
0x35: {  	[spmem:s2] =	stream.indirect.scatter.add.f32 [tilespmem:s18], [sflag:$0x7], $0x40, s25, s14, $0xb8;
	[tilespmem:$0x17000] =	vst v63  }
0x36: {  	_ =	swait.ge [sflag:s29], $0x2000  }
0x37: {  	[sflag:s29] =	ssyncset.done $0x0  }
0x38: {  	s28 =	simm.s32 $0x280;
	[sflag:s29] =	ssyncadd.s32 $0xFFFFE000  }
0x39: {  	[tilespmem:s16], [sflag:$0x2] =	stream.indirect.gather [hbm4b:s4+s14], $0x40, s28, s14, $0xb8;
	[tilespmem:$0x17000] =	vst v63  }
0x3a: {  	_ =	swait.ge [sflag:s31], $0x2000  }
0x3b: {  	[sflag:s31] =	ssyncset.done $0x0  }
0x3c: {  	s25 =	simm.s32 $0x2980;
	[sflag:s31] =	ssyncadd.s32 $0xFFFFE000  }
0x3d: {  	[spmem:s2] =	stream.indirect.scatter.add.f32 [tilespmem:s21], [sflag:$0x8], $0x40, s25, s14, $0xb8;
	[tilespmem:$0x17000] =	vst v63  }
0x3e: {  	_ =	swait.ge [sflag:s0], $0x2000  }
0x3f: {  	[sflag:s0] =	ssyncset.done $0x0  }
0x40: {  	s28 =	simm.s32 $0x300;
	[sflag:s0] =	ssyncadd.s32 $0xFFFFE000  }
0x41: {  	[tilespmem:s18], [sflag:$0x3] =	stream.indirect.gather [hbm4b:s4+s14], $0x40, s28, s14, $0xb8;
	[tilespmem:$0x17000] =	vst v63  }
0x42: {  	_ =	swait.ge [sflag:s19], $0x2000  }
0x43: {  	[sflag:s19] =	ssyncset.done $0x0  }
0x44: {  	s25 =	simm.s32 $0x2A00;
	[sflag:s19] =	ssyncadd.s32 $0xFFFFE000  }
0x45: {  	[spmem:s2] =	stream.indirect.scatter.add.f32 [tilespmem:s15], [sflag:$0x5], $0x40, s25, s14, $0xb8;
	[tilespmem:$0x17000] =	vst v63  }
0x46: {  	_ =	swait.ge [sflag:s17], $0x2000  }
0x47: {  	[sflag:s17] =	ssyncset.done $0x0  }
0x48: {  	s28 =	simm.s32 $0x380;
	[sflag:s17] =	ssyncadd.s32 $0xFFFFE000  }
0x49: {  	[tilespmem:s21], [sflag:$0x4] =	stream.indirect.gather [hbm4b:s4+s14], $0x40, s28, s14, $0xb8;
	[tilespmem:$0x17000] =	vst v63  }
0x4a: {  	_ =	swait.ge [sflag:s22], $0x2000  }
0x4b: {  	[sflag:s22] =	ssyncset.done $0x0  }
0x4c: {  	s25 =	simm.s32 $0x2A80;
	[sflag:s22] =	ssyncadd.s32 $0xFFFFE000  }
0x4d: {  	[spmem:s2] =	stream.indirect.scatter.add.f32 [tilespmem:s16], [sflag:$0x6], $0x40, s25, s14, $0xb8;
	[tilespmem:$0x17000] =	vst v63  }
0x4e: {  	_ =	swait.ge [sflag:s24], $0x2000  }
0x4f: {  	[sflag:s24] =	ssyncset.done $0x0  }
0x50: {  	s28 =	simm.s32 $0x400;
	[sflag:s24] =	ssyncadd.s32 $0xFFFFE000  }
0x51: {  	[tilespmem:s15], [sflag:$0x1] =	stream.indirect.gather [hbm4b:s4+s14], $0x40, s28, s14, $0xb8;
	[tilespmem:$0x17000] =	vst v63  }
0x52: {  	_ =	swait.ge [sflag:s26], $0x2000  }
0x53: {  	[sflag:s26] =	ssyncset.done $0x0  }
0x54: {  	s25 =	simm.s32 $0x2B00;
	[sflag:s26] =	ssyncadd.s32 $0xFFFFE000  }
0x55: {  	[spmem:s2] =	stream.indirect.scatter.add.f32 [tilespmem:s18], [sflag:$0x7], $0x40, s25, s14, $0xb8;
	[tilespmem:$0x17000] =	vst v63  }
0x56: {  	_ =	swait.ge [sflag:s29], $0x2000  }
0x57: {  	[sflag:s29] =	ssyncset.done $0x0  }
0x58: {  	s28 =	simm.s32 $0x480;
	[sflag:s29] =	ssyncadd.s32 $0xFFFFE000  }
0x59: {  	[tilespmem:s16], [sflag:$0x2] =	stream.indirect.gather [hbm4b:s4+s14], $0x40, s28, s14, $0xb8;
	[tilespmem:$0x17000] =	vst v63  }
0x5a: {  	_ =	swait.ge [sflag:s31], $0x2000  }
0x5b: {  	[sflag:s31] =	ssyncset.done $0x0  }
0x5c: {  	s23 =	simm.s32 $0x800;
	s25 =	simm.s32 $0x2B80;
	[sflag:s31] =	ssyncadd.s32 $0xFFFFE000  }
.LBB2_2:
0x5d: {  	[spmem:s2] =	stream.indirect.scatter.add.f32 [tilespmem:s21], [sflag:$0x8], $0x40, s25, s14, $0xb8;
	[tilespmem:$0x17000] =	vst v63  }
0x5e: {  	s25 =	smov.u32 s23  }
0x5f: {  	p0 =	sne.s32 s23, $0x8800;
	s23 =	sadd.s32 $0x800, s23;
	_ =	swait.ge [sflag:s0], $0x2000  }
0x60: {  	s25 =	sshra.s32 s25, $0x2;
	[sflag:s0] =	ssyncset.done $0x0  }
0x61: {  	s28 =	sadd.s32 $0x300, s25;
	[sflag:s0] =	ssyncadd.s32 $0xFFFFE000  }
0x62: {  	[tilespmem:s18], [sflag:$0x3] =	stream.indirect.gather [hbm4b:s4+s14], $0x40, s28, s14, $0xb8;
	[tilespmem:$0x17000] =	vst v63  }
0x63: {  	_ =	swait.ge [sflag:s19], $0x2000  }
0x64: {  	[sflag:s19] =	ssyncset.done $0x0  }
0x65: {  	s28 =	sadd.s32 $0x2A00, s25;
	[sflag:s19] =	ssyncadd.s32 $0xFFFFE000  }
0x66: {  	[spmem:s2] =	stream.indirect.scatter.add.f32 [tilespmem:s15], [sflag:$0x5], $0x40, s28, s14, $0xb8;
	[tilespmem:$0x17000] =	vst v63  }
0x67: {  	_ =	swait.ge [sflag:s17], $0x2000  }
0x68: {  	[sflag:s17] =	ssyncset.done $0x0  }
0x69: {  	s28 =	sadd.s32 $0x380, s25;
	[sflag:s17] =	ssyncadd.s32 $0xFFFFE000  }
0x6a: {  	[tilespmem:s21], [sflag:$0x4] =	stream.indirect.gather [hbm4b:s4+s14], $0x40, s28, s14, $0xb8;
	[tilespmem:$0x17000] =	vst v63  }
0x6b: {  	_ =	swait.ge [sflag:s22], $0x2000  }
0x6c: {  	[sflag:s22] =	ssyncset.done $0x0  }
0x6d: {  	s28 =	sadd.s32 $0x2A80, s25;
	[sflag:s22] =	ssyncadd.s32 $0xFFFFE000  }
0x6e: {  	[spmem:s2] =	stream.indirect.scatter.add.f32 [tilespmem:s16], [sflag:$0x6], $0x40, s28, s14, $0xb8;
	[tilespmem:$0x17000] =	vst v63  }
0x6f: {  	_ =	swait.ge [sflag:s24], $0x2000  }
0x70: {  	[sflag:s24] =	ssyncset.done $0x0  }
0x71: {  	s28 =	sadd.s32 $0x400, s25;
	[sflag:s24] =	ssyncadd.s32 $0xFFFFE000  }
0x72: {  	[tilespmem:s15], [sflag:$0x1] =	stream.indirect.gather [hbm4b:s4+s14], $0x40, s28, s14, $0xb8;
	[tilespmem:$0x17000] =	vst v63  }
0x73: {  	_ =	swait.ge [sflag:s26], $0x2000  }
0x74: {  	[sflag:s26] =	ssyncset.done $0x0  }
0x75: {  	s28 =	sadd.s32 $0x2B00, s25;
	[sflag:s26] =	ssyncadd.s32 $0xFFFFE000  }
0x76: {  	[spmem:s2] =	stream.indirect.scatter.add.f32 [tilespmem:s18], [sflag:$0x7], $0x40, s28, s14, $0xb8;
	[tilespmem:$0x17000] =	vst v63  }
0x77: {  	_ =	swait.ge [sflag:s29], $0x2000  }
0x78: {  	[sflag:s29] =	ssyncset.done $0x0  }
.Ltmp0:
0x79: {  	s28 =	sadd.s32 $0x480, s25;
	[sflag:s29] =	ssyncadd.s32 $0xFFFFE000;
	(pc) =	sbr.rel @p0 .LBB2_2-.Ltmp0, $4  }
0x7a: {  	[tilespmem:s16], [sflag:$0x2] =	stream.indirect.gather [hbm4b:s4+s14], $0x40, s28, s14, $0xb8;
	[tilespmem:$0x17000] =	vst v63  }
0x7b: {  	_ =	swait.ge [sflag:s31], $0x2000  }
0x7c: {  	[sflag:s31] =	ssyncset.done $0x0  }
0x7d: {  	s25 =	sadd.s32 $0x2B80, s25;
	[sflag:s31] =	ssyncadd.s32 $0xFFFFE000  }
0x7e: {  	[spmem:s2] =	stream.indirect.scatter.add.f32 [tilespmem:s21], [sflag:$0x8], $0x40, s25, s14, $0xb8;
	[tilespmem:$0x17000] =	vst v63  }
0x7f: {  	_ =	swait.ge [sflag:s0], $0x2000  }
0x80: {  	[sflag:s0] =	ssyncset.done $0x0  }
0x81: {  	s23 =	simm.s32 $0x2700;
	[sflag:s0] =	ssyncadd.s32 $0xFFFFE000  }
0x82: {  	[tilespmem:s18], [sflag:$0x3] =	stream.indirect.gather [hbm4b:s4+s14], $0x40, s23, s14, $0xb8;
	[tilespmem:$0x17000] =	vst v63  }
0x83: {  	_ =	swait.ge [sflag:s19], $0x2000  }
0x84: {  	[sflag:s19] =	ssyncset.done $0x0  }
0x85: {  	s28 =	simm.s32 $0x4E00;
	[sflag:s19] =	ssyncadd.s32 $0xFFFFE000  }
0x86: {  	[spmem:s2] =	stream.indirect.scatter.add.f32 [tilespmem:s15], [sflag:$0x5], $0x40, s28, s14, $0xb8;
	[tilespmem:$0x17000] =	vst v63  }
0x87: {  	_ =	swait.ge [sflag:s17], $0x2000  }
0x88: {  	[sflag:s17] =	ssyncset.done $0x0  }
0x89: {  	s25 =	simm.s32 $0x2780;
	[sflag:s17] =	ssyncadd.s32 $0xFFFFE000  }
0x8a: {  	[tilespmem:s21], [sflag:$0x4] =	stream.indirect.gather [hbm4b:s4+s14], $0x40, s25, s14, $0xb8;
	[tilespmem:$0x17000] =	vst v63  }
0x8b: {  	_ =	swait.ge [sflag:s22], $0x2000  }
0x8c: {  	[sflag:s22] =	ssyncset.done $0x0  }
0x8d: {  	s28 =	simm.s32 $0x4E80;
	[sflag:s22] =	ssyncadd.s32 $0xFFFFE000  }
0x8e: {  	[spmem:s2] =	stream.indirect.scatter.add.f32 [tilespmem:s16], [sflag:$0x6], $0x40, s28, s14, $0xb8;
	[tilespmem:$0x17000] =	vst v63  }
0x8f: {  	_ =	swait.ge [sflag:s24], $0x2000  }
0x90: {  	[sflag:s24] =	ssyncset.done $0x0  }
0x91: {  	[sflag:s24] =	ssyncadd.s32 $0xFFFFE000  }
0x92: {  	_ =	swait.ge [sflag:s26], $0x2000  }
0x93: {  	[sflag:s26] =	ssyncset.done $0x0  }
0x94: {  	[sflag:s26] =	ssyncadd.s32 $0xFFFFE000  }
0x95: {  	[spmem:s2] =	stream.indirect.scatter.add.f32 [tilespmem:s18], [sflag:$0x7], $0x40, s30, s14, $0xb8;
	[tilespmem:$0x17000] =	vst v63  }
0x96: {  	_ =	swait.ge [sflag:s29], $0x2000  }
0x97: {  	[sflag:s29] =	ssyncset.done $0x0  }
0x98: {  	[sflag:s29] =	ssyncadd.s32 $0xFFFFE000  }
0x99: {  	_ =	swait.ge [sflag:s31], $0x2000  }
0x9a: {  	[sflag:s31] =	ssyncset.done $0x0  }
0x9b: {  	[sflag:s31] =	ssyncadd.s32 $0xFFFFE000  }
0x9c: {  	[spmem:s2] =	stream.indirect.scatter.add.f32 [tilespmem:s21], [sflag:$0x8], $0x40, s1, s14, $0xb8;
	[tilespmem:$0x17000] =	vst v63  }
0x9d: {  	_ =	swait.ge [sflag:s0], $0x2000  }
0x9e: {  	[sflag:s0] =	ssyncset.done $0x0  }
0x9f: {  	[sflag:s0] =	ssyncadd.s32 $0xFFFFE000  }
0xa0: {  	_ =	swait.ge [sflag:s17], $0x2000  }
0xa1: {  	s20 =	sadd.s32 $0x1, s20;
	[sflag:s17] =	ssyncset.done $0x0  }
0xa2: {  	p0 =	sne.s32 s20, s10;
	[sflag:s17] =	ssyncadd.s32 $0xFFFFE000  }
.Ltmp1:
0xa3: {  	[bflag:$0x0] =	sbarrier.arrive $0xFFFF;
	(pc) =	sbr.rel @p0 .LBB2_1-.Ltmp1, $4  }
0xa4: {  	[hbm:s9], [sflag:s6] =	dma.local [spmem:s11], $0x1400  }
0xa5: {  	_ =	swait.ge [sflag:s12], $0x1400  }
0xa6: {  	[sflag:s12] =	ssyncset.done $0x0  }
0xa7: {  	[sflag:s12] =	ssyncadd.s32 $0xFFFFEC00  }
0xa8: {  	_ =	sfence.sel $0x180000  }
0xa9: {  	[bflag:$0x0] =	sbarrier.arrive $0xFFFF  }
0xaa: {  	_ =	strace $0x9000004A  }
0xab: {  	s0 =	stileid.u32;
	[bflag:$0x2] =	sbarrier.arrive $0xFFFF  }
0xac: {  	p0 =	sne.s32 s0, $0x0;
	s0 =	rddreg [dreg:$0x2]  }
0xad: {  	s0 =	sadd.s32 @!p0 $0x100000, s0  }
0xae: {  	[sflag:s0] =	ssyncadd.tile.s32 @!p0 $0x1;
	_ =	shalt  }
.Lfunc_end2:
_tile_overlayer_lowered:
.L_overlay_start_2:
0xaf: {  	(tag) =	ssettag $0x2  }
0xb0: {  	s0 =	rddreg [dreg:$0x0];
	s2 =	stileid.u32  }
0xb1: {  	s1 =	rddreg [dreg:$0x1];
	p0 =	sne.s32 s2, $0x0  }
0xb2: {  	s3 =	rddreg [dreg:$0x2];
	[bflag:$0x3] =	sbarrier.arrive $0xFFFF;
	s2 =	simm.s32 @!p0 $0x1C09  }
0xb3: {  	[timem:s3], [sflag:s2] =	dma.local @!p0 [hbm:s0], s1  }
0xb4: {  	s0 =	simm.s32 @!p0 $0x9  }
0xb5: {  	_ =	swait.ge @!p0 [sflag:s0], s1  }
0xb6: {  	s1 =	ssub.s32 @!p0 $0x0, s1;
	[sflag:s0] =	ssyncset.done @!p0 $0x0  }
0xb7: {  	[sflag:s0] =	ssyncadd.s32 @!p0 s1  }
0xb8: {  	[bflag:$0x3] =	sbarrier.arrive $0xFFFF  }
0xb9: {  	_ =	shalt  }

// kernel: kernel.9.cloned.1.call-start
scs
__scs_entry_jumppad:
0x0: {  	(pc) =	sbr.rel $0x88, $3  }
0x1: {  	(tag) =	ssettag $0x0;
	lr =	simm.s32 $0x1  }
0x2: {  	[smem:$0x3F92] =	sst lr;
	_ =	strace $0xD0000000  }
0x3: {  	_ = 	snop  }
0x4: {  	_ = 	snop  }
0x5: {  	_ = 	snop  }
0x6: {  	_ = 	snop  }
0x7: {  	_ = 	snop  }
__scs_overlays_trampoline_lowered:
0x8: {  	[smem:$0x3FA1] =	sst s0  }
0x9: {  	[smem:$0x3FA2] =	sst s1  }
0xa: {  	[smem:$0x3FA3] =	sst s2  }
0xb: {  	[smem:$0x3FA4] =	sst s3  }
0xc: {  	[smem:$0x3FA5] =	sst s4  }
0xd: {  	[smem:$0x3FA6] =	sst s5  }
0xe: {  	[smem:$0x3FA7] =	sst s6  }
0xf: {  	[smem:$0x3FA8] =	sst s7  }
0x10: {  	[smem:$0x3FA9] =	sst s8  }
0x11: {  	[smem:$0x3FAA] =	sst s9;
	s0 =	simm.s32 @!p0 $0x0  }
0x12: {  	s1 =	sld [smem:$0x3F90];
	s0 =	simm.s32 @p0 $0x1  }
0x13: {  	[smem:$0x3FAB] =	sst s0;
	s0 =	simm.s32 @!p1 $0x0  }
0x14: {  	s2 =	sld [smem:$0x3F8F];
	s0 =	simm.s32 @p1 $0x1  }
0x15: {  	[smem:$0x3FAC] =	sst s0;
	s0 =	simm.s32 @!p2 $0x0  }
0x16: {  	s3 =	sld [smem:$0x3FDB];
	s0 =	simm.s32 @p2 $0x1  }
0x17: {  	s4 =	simm.s32 $0x1BF5;
	[smem:$0x3FAE] =	sst s0  }
0x18: {  	s0 =	sld [smem:$0x3F91];
	_ =	swait.ge [sflag:s4], $0x0  }
0x19: {  	s7 =	sld [smem:$0x3F92]  }
0x1a: {  	s8 =	sadd.s32 $0xFFFFE003, lr  }
0x1b: {  	s9 =	sadd.s32 $0xFFFFFEF7, lr;
	s5 =	simm.s32 $0xFFFFFFFF;
	p2 =	slt.u32 s8, $0xFFFFF086  }
0x1c: {  	p1 =	slt.u32 s9, $0xF7A;
	s5 =	simm.s32 @!p2 $0x0  }
0x1d: {  	s5 =	simm.s32 @p1 $0x1;
	p0 =	seq.s32 s7, s2  }
0x1e: {  	s7 =	smul.u32 @!p0 $0xF7A, s2;
	p2 =	seq.s32 @!p0 s5, $0x0  }
0x1f: {  	s9 =	smul.u32 $0xF7A, s1;
	s8 =	simm.s32 @!p0 $0x1BF5;
	p2 =	por !p2, p0  }
0x20: {  	[sflag:s8] =	ssyncset.s32 @!p0 $0xFFFFF086;
	s6 =	sadd.s32 @!p0 s3, s7;
	s7 =	simm.s32 @!p0 $0x108  }
0x21: {  	s3 =	sadd.s32 s3, s9;
	s6 =	sadd.s32 @!p0 $0x88, s6;
	s7 =	simm.s32 @p2 $0x1082  }
0x22: {  	[simem:s7], [sflag:s8] =	dma.local @!p0 [hbm:s6], $0xF7A  }
0x23: {  	s9 =	sor.u32 $0xD0000000, s2;
	s6 =	simm.s32 $0x108;
	_ =	swait.ge @!p0 [sflag:s8], $0x0  }
0x24: {  	s3 =	sadd.s32 $0x88, s3;
	s6 =	simm.s32 @!p1 $0x1082;
	[sflag:s4] =	ssyncset.s32 $0xFFFFF086  }
0x25: {  	[simem:s6], [sflag:s4] =	dma.local [hbm:s3], $0xF7A  }
0x26: {  	[smem:$0x3F92] =	sst s1;
	(tag) =	ssettag s2;
	_ =	strace s9  }
0x27: {  	s1 =	sld [smem:$0x3FA2]  }
0x28: {  	s2 =	sld [smem:$0x3FA3]  }
0x29: {  	s4 =	sld [smem:$0x3FA5]  }
0x2a: {  	p0 =	seq.s32 s5, $0x0;
	s5 =	sld [smem:$0x3FA6]  }
0x2b: {  	s6 =	sld [smem:$0x3FA7]  }
0x2c: {  	s7 =	sld [smem:$0x3FA8]  }
0x2d: {  	s3 =	simm.s32 $0x108;
	s8 =	sld [smem:$0x3FA9]  }
0x2e: {  	s3 =	simm.s32 @!p0 $0x1082;
	s9 =	sld [smem:$0x3FAA]  }
0x2f: {  	lr =	sadd.s32 s0, s3;
	s0 =	sld [smem:$0x3FA1]  }
0x30: {  	s3 =	sld [smem:$0x3FA4]  }
0x31: {  	[smem:$0x3FAD] =	sst s10  }
0x32: {  	s10 =	sld [smem:$0x3FAB];
	_ =	sdelay $0x3  }
0x33: {  	p0 =	seq.s32 s10, $0x1;
	s10 =	sld [smem:$0x3FAD];
	_ =	sdelay $0x3  }
0x34: {  	[smem:$0x3FAD] =	sst s10  }
0x35: {  	s10 =	sld [smem:$0x3FAC];
	_ =	sdelay $0x3  }
0x36: {  	p1 =	seq.s32 s10, $0x1;
	s10 =	sld [smem:$0x3FAD];
	_ =	sdelay $0x3  }
0x37: {  	[smem:$0x3FAD] =	sst s10  }
0x38: {  	s10 =	sld [smem:$0x3FAE]  }
0x39: {  	_ = 	snop;
	(pc) =	sbr.ind lr, $3  }
0x3a: {  	_ = 	snop  }
0x3b: {  	_ = 	snop  }
0x3c: {  	p2 =	seq.s32 s10, $0x1;
	s10 =	sld [smem:$0x3FAD]  }
0x3d: {  	_ =	shalt  }
0x3e: {  	_ =	shalt  }
0x3f: {  	_ =	shalt  }
0x40: {  	_ =	shalt  }
0x41: {  	_ =	shalt  }
0x42: {  	_ =	shalt  }
0x43: {  	_ =	shalt  }
0x44: {  	_ =	shalt  }
0x45: {  	_ =	shalt  }
0x46: {  	_ =	shalt  }
0x47: {  	_ =	shalt  }
0x48: {  	_ =	shalt  }
0x49: {  	_ =	shalt  }
0x4a: {  	_ =	shalt  }
0x4b: {  	_ =	shalt  }
0x4c: {  	_ =	shalt  }
0x4d: {  	_ =	shalt  }
0x4e: {  	_ =	shalt  }
0x4f: {  	_ =	shalt  }
0x50: {  	_ =	shalt  }
0x51: {  	_ =	shalt  }
0x52: {  	_ =	shalt  }
0x53: {  	_ =	shalt  }
0x54: {  	_ =	shalt  }
0x55: {  	_ =	shalt  }
0x56: {  	_ =	shalt  }
0x57: {  	_ =	shalt  }
0x58: {  	_ =	shalt  }
0x59: {  	_ =	shalt  }
0x5a: {  	_ =	shalt  }
0x5b: {  	_ =	shalt  }
0x5c: {  	_ =	shalt  }
0x5d: {  	_ =	shalt  }
0x5e: {  	_ =	shalt  }
0x5f: {  	_ =	shalt  }
0x60: {  	_ =	shalt  }
0x61: {  	_ =	shalt  }
0x62: {  	_ =	shalt  }
0x63: {  	_ =	shalt  }
0x64: {  	_ =	shalt  }
0x65: {  	_ =	shalt  }
0x66: {  	_ =	shalt  }
0x67: {  	_ =	shalt  }
0x68: {  	_ =	shalt  }
0x69: {  	_ =	shalt  }
0x6a: {  	_ =	shalt  }
0x6b: {  	_ =	shalt  }
0x6c: {  	_ =	shalt  }
0x6d: {  	_ =	shalt  }
0x6e: {  	_ =	shalt  }
0x6f: {  	_ =	shalt  }
0x70: {  	_ =	shalt  }
0x71: {  	_ =	shalt  }
0x72: {  	_ =	shalt  }
0x73: {  	_ =	shalt  }
0x74: {  	_ =	shalt  }
0x75: {  	_ =	shalt  }
0x76: {  	_ =	shalt  }
0x77: {  	_ =	shalt  }
0x78: {  	_ =	shalt  }
0x79: {  	_ =	shalt  }
0x7a: {  	_ =	shalt  }
0x7b: {  	_ =	shalt  }
0x7c: {  	_ =	shalt  }
0x7d: {  	_ =	shalt  }
0x7e: {  	_ =	shalt  }
0x7f: {  	_ =	shalt  }
0x80: {  	_ =	shalt  }
0x81: {  	_ =	shalt  }
0x82: {  	_ =	shalt  }
0x83: {  	_ =	shalt  }
0x84: {  	_ =	shalt  }
0x85: {  	_ =	shalt  }
0x86: {  	_ =	shalt  }
0x87: {  	_ =	shalt  }
.Lfunc_end0:
.L_simem_size_0:
called_computation_lowered:
.L_overlay_start_0:
0x88: {  	s2 =	sld [smem:$0x3FD9]  }
0x89: {  	s3 =	sld [smem:$0x3FFE];
	_ =	sdelay $0x1  }
0x8a: {  	s1 =	srdreg.scid  }
0x8b: {  	s0 =	sand.u32 $0x1, s1  }
0x8c: {  	s16 =	sshll.u32 s0, $0xA;
	s2 =	sadd.s32 s3, s2  }
0x8d: {  	s2 =	sadd.s32 s2, s16  }
0x8e: {  	[smem:$0x3FB9] =	sst s2  }
0x8f: {  	_ = 	snop  }
0x90: {  	(tm) =	ssettm $0x1  }
0x91: {  	s17 =	sld [smem:$0x3FFB];
	_ =	sdelay $0x3  }
0x92: {  	_ =	strace s17  }
0x93: {  	s2 =	sld [smem:$0x3FFC];
	_ =	sdelay $0x3  }
0x94: {  	_ =	strace s2  }
0x95: {  	s2 =	sld [smem:$0x3FFD];
	_ =	sdelay $0x3  }
0x96: {  	_ =	strace s2  }
0x97: {  	_ =	strace $0x8FFFFFFF  }
0x98: {  	s18 =	sld [smem:$0x3FDB];
	_ =	sdelay $0x1  }
0x99: {  	s19 =	simm.s32 $_scs_section_size  }
0x9a: {  	s4 =	simm.s32 $_size__tile_overlayer_lowered;
	s5 =	simm.s32 $_tile_overlayer_lowered  }
0x9b: {  	s22 =	simm.s32 $0x1BFF;
	s21 =	sshll.u32 s5, $0x1;
	s2 =	sadd.s32 s19, s18  }
0x9c: {  	s6 =	simm.s32 $0x0;
	s20 =	sshll.u32 s4, $0x1;
	s4 =	sadd.s32 s21, s2  }
0x9d: {  	[timem:s6], [sflag:s22] =	dma.local [hbm:s4], s20  }
0x9e: {  	_ =	swait.ge [sflag:s22], s20  }
0x9f: {  	s3 =	ssub.s32 $0x0, s20;
	[sflag:s22] =	ssyncset.done $0x0  }
0xa0: {  	[sflag:s22] =	ssyncadd.s32 s3;
	_ =	sdelay $0x1  }
0xa1: {  	s23 =	simm.s32 $0x1B8B  }
0xa2: {  	_ =	swait.ge [sflag:s23], $0x1  }
0xa3: {  	[sflag:s23] =	ssyncset.done $0x0  }
0xa4: {  	s25 =	simm.s32 $0x1B8E;
	s24 =	sld [smem:$0x3FFE];
	[sflag:s23] =	ssyncadd.s32 $0xFFFFFFFF  }
0xa5: {  	s26 =	simm.s32 $execute0_lowered;
	[smem:$0x3FD2] =	sst s25  }
0xa6: {  	s4 =	sshll.u32 s26, $0x1;
	_ =	strace $0x80000046;
	[dreg:$0x1] =	wrdreg $0xFFFFFFFF  }
0xa7: {  	s28 =	simm.s32 $_size_execute0_lowered;
	s2 =	sadd.s32 s2, s4;
	[dreg:$0x0] =	wrdreg $0x0  }
0xa8: {  	s4 =	sshll.u32 s28, $0x1;
	[dreg:$0x2] =	wrdreg s2  }
0xa9: {  	[dreg:$0x3] =	wrdreg s4  }
0xaa: {  	[dreg:$0x4] =	wrdreg $0xC0  }
0xab: {  	_ =	task [dreg:s6], $0x5FFFF  }
0xac: {  	[dreg:$0x1] =	wrdreg $0xFFFFFFFF  }
0xad: {  	[dreg:$0x0] =	wrdreg $0x60  }
0xae: {  	[dreg:$0x2] =	wrdreg s24  }
0xaf: {  	[dreg:$0x3] =	wrdreg $0xD0000  }
0xb0: {  	[dreg:$0x4] =	wrdreg $0x9  }
0xb1: {  	_ =	task.clear_ibuf [dreg:s6], $0x5FFFF;
	_ =	strace $0x90000046  }
0xb2: {  	s29 =	simm.s32 $0x9;
	_ =	strace $0x80000048  }
0xb3: {  	_ =	swait.ge [sflag:s29], $0x1  }
0xb4: {  	[sflag:s29] =	ssyncadd.s32 $0xFFFFFFFF  }
0xb5: {  	_ =	strace $0x90000048  }
0xb6: {  	_ =	sfence  }
0xb7: {  	s30 =	sld [smem:$0x0];
	_ =	sdelay $0x2  }
0xb8: {  	s31 =	sshll.u32 s1, $0xD;
	s1 =	sshrl.u32 s1, $0x2  }
0xb9: {  	s3 =	sand.u32 $0x4000, s31;
	s1 =	sadd.s32 s1, s30  }
0xba: {  	s0 =	sor.u32 s3, s0;
	s1 =	sshll.u32 s1, $0x11  }
0xbb: {  	s0 =	sor.u32 s1, s0  }
0xbc: {  	s0 =	sadd.s32 $0x8F2B, s0  }
0xbd: {  	[sflag:s0] =	ssyncadd.remote.s32 $0x1  }
0xbe: {  	_ =	sfence.sel $0xFFFF  }
0xbf: {  	[dreg:$0x0] =	wrdreg $0xFFFFFFFF;
	(pc) =	sbr.abs _section_cstart, $3  }
0xc0: {  	[dreg:$0x1] =	wrdreg $0xFFFFFFFF  }
0xc1: {  	_ =	task.clear_ibuf [dreg:s6], $0x2FFFF;
	_ =	strace $0x9FFFFFFF  }
0xc2: {  	(tm) =	ssettm $0x7FFFFFFF  }
0xc3: {  	_ =	shalt  }
tec
execute0_lowered:
.L_overlay_start_1:
0x0: {  	(tag) =	ssettag $0x1  }
0x1: {  	s0 =	srdreg.scid  }
0x2: {  	s11 =	stileid.u32;
	s6 =	rddreg [dreg:$0x0]  }
0x3: {  	s2 =	rddreg [dreg:$0x1];
	s3 =	simm.s32 $0x0;
	s12 =	simm.s32 $0x9  }
0x4: {  	s13 =	simm.s32 $0x2800;
	s14 =	simm.s32 $0x80;
	s15 =	simm.s32 $0x5000  }
0x5: {  	s16 =	simm.s32 $0x7000;
	s18 =	simm.s32 $0x9000;
	s19 =	simm.s32 $0x1  }
0x6: {  	s21 =	simm.s32 $0xB000;
	s22 =	simm.s32 $0x2;
	s24 =	simm.s32 $0x5  }
0x7: {  	s29 =	simm.s32 $0x6;
	s31 =	simm.s32 $0x4;
	s17 =	simm.s32 $0x8  }
0x8: {  	s30 =	simm.s32 $0x4F00;
	s20 =	simm.s32 $0x0;
	s0 =	sand.u32 $0x1, s0  }
0x9: {  	s1 =	sshll.u32 s11, $0x1;
	s7 =	smul.u32 $0xA000, s11;
	[smem:$0x7FF] =	sst s3  }
0xa: {  	s4 =	sadd.s32 $0x1E00, s6;
	s26 =	sshll.u32 s11, $0x6;
	s1 =	sor.u32 s0, s1  }
0xb: {  	s5 =	smul.u32 $0xA0000, s0;
	_ =	strace $0x80000047;
	s0 =	ssub.s32 $0x2, s0  }
0xc: {  	s1 =	smul.u32 $0x500, s1;
	s9 =	sshrl.u32 s0, $0x1;
	s28 =	sadd.s32 s7, s2  }
0xd: {  	s8 =	sadd.s32 s7, s5;
	s5 =	sadd.s32 $0x29800, s6;
	s0 =	ssub.s32 s0, s9  }
0xe: {  	s11 =	sshrl.u32 s28, $0x3;
	s1 =	sadd.s32 s1, s6;
	s8 =	sshrl.u32 s8, $0x3  }
0xf: {  	s10 =	sadd.s32 s8, s6;
	s6 =	sor.u32 $0x1C09, s26;
	s7 =	sadd.s32 $0x1F800, s1  }
0x10: {  	s8 =	sadd.s32 $0x15800, s1;
	s26 =	simm.s32 $0x3;
	s1 =	simm.s32 $0x4F80  }
0x11: {  	s9 =	sadd.s32 $0x2AC00, s10;
	s10 =	smax.u32 s0, $0x1;
	s0 =	simm.s32 $0x7  }
.LBB2_1:
0x12: {  	[spmem:s11], [sflag:s6] =	dma.local [hbm:s5], $0x1400  }
0x13: {  	_ =	swait.ge [sflag:s12], $0x1400  }
0x14: {  	[sflag:s12] =	ssyncset.done $0x0  }
0x15: {  	[sflag:s12] =	ssyncadd.s32 $0xFFFFEC00  }
0x16: {  	[tilespmem:s3], [sflag:$0x9] =	stream.linear.gather [hbm4b:s7+s3], $0x2800, $0x38;
	[tilespmem:$0x17000] =	vst v63  }
0x17: {  	_ =	swait.ge [sflag:s12], $0x2800  }
0x18: {  	[sflag:s12] =	ssyncset.done $0x0  }
0x19: {  	[sflag:s12] =	ssyncadd.s32 $0xFFFFD800  }
0x1a: {  	[tilespmem:s13], [sflag:$0x9] =	stream.linear.gather [hbm4b:s8+s3], $0x2800, $0x38;
	[tilespmem:$0x17000] =	vst v63  }
0x1b: {  	_ =	swait.ge [sflag:s12], $0x2800  }
0x1c: {  	[sflag:s12] =	ssyncset.done $0x0  }
0x1d: {  	[sflag:s12] =	ssyncadd.s32 $0xFFFFD800  }
0x1e: {  	[bflag:$0x0] =	sbarrier.arrive $0xFFFF  }
0x1f: {  	[tilespmem:s15], [sflag:$0x1] =	stream.indirect.gather [hbm4b:s4+s14], $0x40, s3, s14, $0xb8;
	[tilespmem:$0x17000] =	vst v63  }
0x20: {  	_ = 	snop  }
0x21: {  	[tilespmem:s16], [sflag:$0x2] =	stream.indirect.gather [hbm4b:s4+s14], $0x40, s14, s14, $0xb8;
	[tilespmem:$0x17000] =	vst v63  }
0x22: {  	s23 =	simm.s32 $0x100  }
0x23: {  	[tilespmem:s18], [sflag:$0x3] =	stream.indirect.gather [hbm4b:s4+s14], $0x40, s23, s14, $0xb8;
	[tilespmem:$0x17000] =	vst v63  }
0x24: {  	_ =	swait.ge [sflag:s19], $0x2000  }
0x25: {  	[sflag:s19] =	ssyncset.done $0x0  }
0x26: {  	[sflag:s19] =	ssyncadd.s32 $0xFFFFE000  }
0x27: {  	[spmem:s2] =	stream.indirect.scatter.add.f32 [tilespmem:s15], [sflag:$0x5], $0x40, s13, s14, $0xb8;
	[tilespmem:$0x17000] =	vst v63  }
0x28: {  	s28 =	simm.s32 $0x180  }
0x29: {  	[tilespmem:s21], [sflag:$0x4] =	stream.indirect.gather [hbm4b:s4+s14], $0x40, s28, s14, $0xb8;
	[tilespmem:$0x17000] =	vst v63  }
0x2a: {  	_ =	swait.ge [sflag:s22], $0x2000  }
0x2b: {  	[sflag:s22] =	ssyncset.done $0x0  }
0x2c: {  	s25 =	simm.s32 $0x2880;
	[sflag:s22] =	ssyncadd.s32 $0xFFFFE000  }
0x2d: {  	[spmem:s2] =	stream.indirect.scatter.add.f32 [tilespmem:s16], [sflag:$0x6], $0x40, s25, s14, $0xb8;
	[tilespmem:$0x17000] =	vst v63  }
0x2e: {  	_ =	swait.ge [sflag:s24], $0x2000  }
0x2f: {  	[sflag:s24] =	ssyncset.done $0x0  }
0x30: {  	s28 =	simm.s32 $0x200;
	[sflag:s24] =	ssyncadd.s32 $0xFFFFE000  }
0x31: {  	[tilespmem:s15], [sflag:$0x1] =	stream.indirect.gather [hbm4b:s4+s14], $0x40, s28, s14, $0xb8;
	[tilespmem:$0x17000] =	vst v63  }
0x32: {  	_ =	swait.ge [sflag:s26], $0x2000  }
0x33: {  	[sflag:s26] =	ssyncset.done $0x0  }
0x34: {  	s25 =	simm.s32 $0x2900;
	[sflag:s26] =	ssyncadd.s32 $0xFFFFE000  }
0x35: {  	[spmem:s2] =	stream.indirect.scatter.add.f32 [tilespmem:s18], [sflag:$0x7], $0x40, s25, s14, $0xb8;
	[tilespmem:$0x17000] =	vst v63  }
0x36: {  	_ =	swait.ge [sflag:s29], $0x2000  }
0x37: {  	[sflag:s29] =	ssyncset.done $0x0  }
0x38: {  	s28 =	simm.s32 $0x280;
	[sflag:s29] =	ssyncadd.s32 $0xFFFFE000  }
0x39: {  	[tilespmem:s16], [sflag:$0x2] =	stream.indirect.gather [hbm4b:s4+s14], $0x40, s28, s14, $0xb8;
	[tilespmem:$0x17000] =	vst v63  }
0x3a: {  	_ =	swait.ge [sflag:s31], $0x2000  }
0x3b: {  	[sflag:s31] =	ssyncset.done $0x0  }
0x3c: {  	s25 =	simm.s32 $0x2980;
	[sflag:s31] =	ssyncadd.s32 $0xFFFFE000  }
0x3d: {  	[spmem:s2] =	stream.indirect.scatter.add.f32 [tilespmem:s21], [sflag:$0x8], $0x40, s25, s14, $0xb8;
	[tilespmem:$0x17000] =	vst v63  }
0x3e: {  	_ =	swait.ge [sflag:s0], $0x2000  }
0x3f: {  	[sflag:s0] =	ssyncset.done $0x0  }
0x40: {  	s28 =	simm.s32 $0x300;
	[sflag:s0] =	ssyncadd.s32 $0xFFFFE000  }
0x41: {  	[tilespmem:s18], [sflag:$0x3] =	stream.indirect.gather [hbm4b:s4+s14], $0x40, s28, s14, $0xb8;
	[tilespmem:$0x17000] =	vst v63  }
0x42: {  	_ =	swait.ge [sflag:s19], $0x2000  }
0x43: {  	[sflag:s19] =	ssyncset.done $0x0  }
0x44: {  	s25 =	simm.s32 $0x2A00;
	[sflag:s19] =	ssyncadd.s32 $0xFFFFE000  }
0x45: {  	[spmem:s2] =	stream.indirect.scatter.add.f32 [tilespmem:s15], [sflag:$0x5], $0x40, s25, s14, $0xb8;
	[tilespmem:$0x17000] =	vst v63  }
0x46: {  	_ =	swait.ge [sflag:s17], $0x2000  }
0x47: {  	[sflag:s17] =	ssyncset.done $0x0  }
0x48: {  	s28 =	simm.s32 $0x380;
	[sflag:s17] =	ssyncadd.s32 $0xFFFFE000  }
0x49: {  	[tilespmem:s21], [sflag:$0x4] =	stream.indirect.gather [hbm4b:s4+s14], $0x40, s28, s14, $0xb8;
	[tilespmem:$0x17000] =	vst v63  }
0x4a: {  	_ =	swait.ge [sflag:s22], $0x2000  }
0x4b: {  	[sflag:s22] =	ssyncset.done $0x0  }
0x4c: {  	s25 =	simm.s32 $0x2A80;
	[sflag:s22] =	ssyncadd.s32 $0xFFFFE000  }
0x4d: {  	[spmem:s2] =	stream.indirect.scatter.add.f32 [tilespmem:s16], [sflag:$0x6], $0x40, s25, s14, $0xb8;
	[tilespmem:$0x17000] =	vst v63  }
0x4e: {  	_ =	swait.ge [sflag:s24], $0x2000  }
0x4f: {  	[sflag:s24] =	ssyncset.done $0x0  }
0x50: {  	s28 =	simm.s32 $0x400;
	[sflag:s24] =	ssyncadd.s32 $0xFFFFE000  }
0x51: {  	[tilespmem:s15], [sflag:$0x1] =	stream.indirect.gather [hbm4b:s4+s14], $0x40, s28, s14, $0xb8;
	[tilespmem:$0x17000] =	vst v63  }
0x52: {  	_ =	swait.ge [sflag:s26], $0x2000  }
0x53: {  	[sflag:s26] =	ssyncset.done $0x0  }
0x54: {  	s25 =	simm.s32 $0x2B00;
	[sflag:s26] =	ssyncadd.s32 $0xFFFFE000  }
0x55: {  	[spmem:s2] =	stream.indirect.scatter.add.f32 [tilespmem:s18], [sflag:$0x7], $0x40, s25, s14, $0xb8;
	[tilespmem:$0x17000] =	vst v63  }
0x56: {  	_ =	swait.ge [sflag:s29], $0x2000  }
0x57: {  	[sflag:s29] =	ssyncset.done $0x0  }
0x58: {  	s28 =	simm.s32 $0x480;
	[sflag:s29] =	ssyncadd.s32 $0xFFFFE000  }
0x59: {  	[tilespmem:s16], [sflag:$0x2] =	stream.indirect.gather [hbm4b:s4+s14], $0x40, s28, s14, $0xb8;
	[tilespmem:$0x17000] =	vst v63  }
0x5a: {  	_ =	swait.ge [sflag:s31], $0x2000  }
0x5b: {  	[sflag:s31] =	ssyncset.done $0x0  }
0x5c: {  	s23 =	simm.s32 $0x800;
	s25 =	simm.s32 $0x2B80;
	[sflag:s31] =	ssyncadd.s32 $0xFFFFE000  }
.LBB2_2:
0x5d: {  	[spmem:s2] =	stream.indirect.scatter.add.f32 [tilespmem:s21], [sflag:$0x8], $0x40, s25, s14, $0xb8;
	[tilespmem:$0x17000] =	vst v63  }
0x5e: {  	s25 =	smov.u32 s23  }
0x5f: {  	p0 =	sne.s32 s23, $0x8800;
	s23 =	sadd.s32 $0x800, s23;
	_ =	swait.ge [sflag:s0], $0x2000  }
0x60: {  	s25 =	sshra.s32 s25, $0x2;
	[sflag:s0] =	ssyncset.done $0x0  }
0x61: {  	s28 =	sadd.s32 $0x300, s25;
	[sflag:s0] =	ssyncadd.s32 $0xFFFFE000  }
0x62: {  	[tilespmem:s18], [sflag:$0x3] =	stream.indirect.gather [hbm4b:s4+s14], $0x40, s28, s14, $0xb8;
	[tilespmem:$0x17000] =	vst v63  }
0x63: {  	_ =	swait.ge [sflag:s19], $0x2000  }
0x64: {  	[sflag:s19] =	ssyncset.done $0x0  }
0x65: {  	s28 =	sadd.s32 $0x2A00, s25;
	[sflag:s19] =	ssyncadd.s32 $0xFFFFE000  }
0x66: {  	[spmem:s2] =	stream.indirect.scatter.add.f32 [tilespmem:s15], [sflag:$0x5], $0x40, s28, s14, $0xb8;
	[tilespmem:$0x17000] =	vst v63  }
0x67: {  	_ =	swait.ge [sflag:s17], $0x2000  }
0x68: {  	[sflag:s17] =	ssyncset.done $0x0  }
0x69: {  	s28 =	sadd.s32 $0x380, s25;
	[sflag:s17] =	ssyncadd.s32 $0xFFFFE000  }
0x6a: {  	[tilespmem:s21], [sflag:$0x4] =	stream.indirect.gather [hbm4b:s4+s14], $0x40, s28, s14, $0xb8;
	[tilespmem:$0x17000] =	vst v63  }
0x6b: {  	_ =	swait.ge [sflag:s22], $0x2000  }
0x6c: {  	[sflag:s22] =	ssyncset.done $0x0  }
0x6d: {  	s28 =	sadd.s32 $0x2A80, s25;
	[sflag:s22] =	ssyncadd.s32 $0xFFFFE000  }
0x6e: {  	[spmem:s2] =	stream.indirect.scatter.add.f32 [tilespmem:s16], [sflag:$0x6], $0x40, s28, s14, $0xb8;
	[tilespmem:$0x17000] =	vst v63  }
0x6f: {  	_ =	swait.ge [sflag:s24], $0x2000  }
0x70: {  	[sflag:s24] =	ssyncset.done $0x0  }
0x71: {  	s28 =	sadd.s32 $0x400, s25;
	[sflag:s24] =	ssyncadd.s32 $0xFFFFE000  }
0x72: {  	[tilespmem:s15], [sflag:$0x1] =	stream.indirect.gather [hbm4b:s4+s14], $0x40, s28, s14, $0xb8;
	[tilespmem:$0x17000] =	vst v63  }
0x73: {  	_ =	swait.ge [sflag:s26], $0x2000  }
0x74: {  	[sflag:s26] =	ssyncset.done $0x0  }
0x75: {  	s28 =	sadd.s32 $0x2B00, s25;
	[sflag:s26] =	ssyncadd.s32 $0xFFFFE000  }
0x76: {  	[spmem:s2] =	stream.indirect.scatter.add.f32 [tilespmem:s18], [sflag:$0x7], $0x40, s28, s14, $0xb8;
	[tilespmem:$0x17000] =	vst v63  }
0x77: {  	_ =	swait.ge [sflag:s29], $0x2000  }
0x78: {  	[sflag:s29] =	ssyncset.done $0x0  }
.Ltmp0:
0x79: {  	s28 =	sadd.s32 $0x480, s25;
	[sflag:s29] =	ssyncadd.s32 $0xFFFFE000;
	(pc) =	sbr.rel @p0 .LBB2_2-.Ltmp0, $4  }
0x7a: {  	[tilespmem:s16], [sflag:$0x2] =	stream.indirect.gather [hbm4b:s4+s14], $0x40, s28, s14, $0xb8;
	[tilespmem:$0x17000] =	vst v63  }
0x7b: {  	_ =	swait.ge [sflag:s31], $0x2000  }
0x7c: {  	[sflag:s31] =	ssyncset.done $0x0  }
0x7d: {  	s25 =	sadd.s32 $0x2B80, s25;
	[sflag:s31] =	ssyncadd.s32 $0xFFFFE000  }
0x7e: {  	[spmem:s2] =	stream.indirect.scatter.add.f32 [tilespmem:s21], [sflag:$0x8], $0x40, s25, s14, $0xb8;
	[tilespmem:$0x17000] =	vst v63  }
0x7f: {  	_ =	swait.ge [sflag:s0], $0x2000  }
0x80: {  	[sflag:s0] =	ssyncset.done $0x0  }
0x81: {  	s23 =	simm.s32 $0x2700;
	[sflag:s0] =	ssyncadd.s32 $0xFFFFE000  }
0x82: {  	[tilespmem:s18], [sflag:$0x3] =	stream.indirect.gather [hbm4b:s4+s14], $0x40, s23, s14, $0xb8;
	[tilespmem:$0x17000] =	vst v63  }
0x83: {  	_ =	swait.ge [sflag:s19], $0x2000  }
0x84: {  	[sflag:s19] =	ssyncset.done $0x0  }
0x85: {  	s28 =	simm.s32 $0x4E00;
	[sflag:s19] =	ssyncadd.s32 $0xFFFFE000  }
0x86: {  	[spmem:s2] =	stream.indirect.scatter.add.f32 [tilespmem:s15], [sflag:$0x5], $0x40, s28, s14, $0xb8;
	[tilespmem:$0x17000] =	vst v63  }
0x87: {  	_ =	swait.ge [sflag:s17], $0x2000  }
0x88: {  	[sflag:s17] =	ssyncset.done $0x0  }
0x89: {  	s25 =	simm.s32 $0x2780;
	[sflag:s17] =	ssyncadd.s32 $0xFFFFE000  }
0x8a: {  	[tilespmem:s21], [sflag:$0x4] =	stream.indirect.gather [hbm4b:s4+s14], $0x40, s25, s14, $0xb8;
	[tilespmem:$0x17000] =	vst v63  }
0x8b: {  	_ =	swait.ge [sflag:s22], $0x2000  }
0x8c: {  	[sflag:s22] =	ssyncset.done $0x0  }
0x8d: {  	s28 =	simm.s32 $0x4E80;
	[sflag:s22] =	ssyncadd.s32 $0xFFFFE000  }
0x8e: {  	[spmem:s2] =	stream.indirect.scatter.add.f32 [tilespmem:s16], [sflag:$0x6], $0x40, s28, s14, $0xb8;
	[tilespmem:$0x17000] =	vst v63  }
0x8f: {  	_ =	swait.ge [sflag:s24], $0x2000  }
0x90: {  	[sflag:s24] =	ssyncset.done $0x0  }
0x91: {  	[sflag:s24] =	ssyncadd.s32 $0xFFFFE000  }
0x92: {  	_ =	swait.ge [sflag:s26], $0x2000  }
0x93: {  	[sflag:s26] =	ssyncset.done $0x0  }
0x94: {  	[sflag:s26] =	ssyncadd.s32 $0xFFFFE000  }
0x95: {  	[spmem:s2] =	stream.indirect.scatter.add.f32 [tilespmem:s18], [sflag:$0x7], $0x40, s30, s14, $0xb8;
	[tilespmem:$0x17000] =	vst v63  }
0x96: {  	_ =	swait.ge [sflag:s29], $0x2000  }
0x97: {  	[sflag:s29] =	ssyncset.done $0x0  }
0x98: {  	[sflag:s29] =	ssyncadd.s32 $0xFFFFE000  }
0x99: {  	_ =	swait.ge [sflag:s31], $0x2000  }
0x9a: {  	[sflag:s31] =	ssyncset.done $0x0  }
0x9b: {  	[sflag:s31] =	ssyncadd.s32 $0xFFFFE000  }
0x9c: {  	[spmem:s2] =	stream.indirect.scatter.add.f32 [tilespmem:s21], [sflag:$0x8], $0x40, s1, s14, $0xb8;
	[tilespmem:$0x17000] =	vst v63  }
0x9d: {  	_ =	swait.ge [sflag:s0], $0x2000  }
0x9e: {  	[sflag:s0] =	ssyncset.done $0x0  }
0x9f: {  	[sflag:s0] =	ssyncadd.s32 $0xFFFFE000  }
0xa0: {  	_ =	swait.ge [sflag:s17], $0x2000  }
0xa1: {  	s20 =	sadd.s32 $0x1, s20;
	[sflag:s17] =	ssyncset.done $0x0  }
0xa2: {  	p0 =	sne.s32 s20, s10;
	[sflag:s17] =	ssyncadd.s32 $0xFFFFE000  }
.Ltmp1:
0xa3: {  	[bflag:$0x0] =	sbarrier.arrive $0xFFFF;
	(pc) =	sbr.rel @p0 .LBB2_1-.Ltmp1, $4  }
0xa4: {  	[hbm:s9], [sflag:s6] =	dma.local [spmem:s11], $0x1400  }
0xa5: {  	_ =	swait.ge [sflag:s12], $0x1400  }
0xa6: {  	[sflag:s12] =	ssyncset.done $0x0  }
0xa7: {  	[sflag:s12] =	ssyncadd.s32 $0xFFFFEC00  }
0xa8: {  	_ =	sfence.sel $0x180000  }
0xa9: {  	[bflag:$0x0] =	sbarrier.arrive $0xFFFF  }
0xaa: {  	_ =	strace $0x90000047  }
0xab: {  	s0 =	stileid.u32;
	[bflag:$0x2] =	sbarrier.arrive $0xFFFF  }
0xac: {  	p0 =	sne.s32 s0, $0x0;
	s0 =	rddreg [dreg:$0x2]  }
0xad: {  	s0 =	sadd.s32 @!p0 $0x100000, s0  }
0xae: {  	[sflag:s0] =	ssyncadd.tile.s32 @!p0 $0x1;
	_ =	shalt  }
.Lfunc_end2:
_tile_overlayer_lowered:
.L_overlay_start_2:
0xaf: {  	(tag) =	ssettag $0x2  }
0xb0: {  	s0 =	rddreg [dreg:$0x0];
	s2 =	stileid.u32  }
0xb1: {  	s1 =	rddreg [dreg:$0x1];
	p0 =	sne.s32 s2, $0x0  }
0xb2: {  	s3 =	rddreg [dreg:$0x2];
	[bflag:$0x3] =	sbarrier.arrive $0xFFFF;
	s2 =	simm.s32 @!p0 $0x1C09  }
0xb3: {  	[timem:s3], [sflag:s2] =	dma.local @!p0 [hbm:s0], s1  }
0xb4: {  	s0 =	simm.s32 @!p0 $0x9  }
0xb5: {  	_ =	swait.ge @!p0 [sflag:s0], s1  }
0xb6: {  	s1 =	ssub.s32 @!p0 $0x0, s1;
	[sflag:s0] =	ssyncset.done @!p0 $0x0  }
0xb7: {  	[sflag:s0] =	ssyncadd.s32 @!p0 s1  }
0xb8: {  	[bflag:$0x3] =	sbarrier.arrive $0xFFFF  }
0xb9: {  	_ =	shalt  }

</sc_bundles>
